<compile_context>
chip_gen: v7x
topology: tpu7x:2x2x1
jax: 0.10.2.dev20260603
libtpu: 0.0.44.dev20260713+nightly
codegen_flags: <defaults>
</compile_context>

<pallas_src>
import functools

import jax
import jax.numpy as jnp
from jax import lax
from jax.experimental import pallas as pl
from jax.experimental.pallas import tpu as pltpu
from jax.experimental.pallas import tpu_sc as plsc

B, H, W = 64, 32, 32
HW = H * W
E = B * HW
BITS = 8
NODES = 255
NC, NS, L = 2, 16, 16
NW = NC * NS
EPW = E // NW
VPW = EPW // L
ROWS = EPW // 128


@functools.partial(
    pl.kernel,
    out_type=jax.ShapeDtypeStruct((BITS, NW, ROWS, 128), jnp.float32),
    mesh=plsc.VectorSubcoreMesh(
        core_axis_name="c", subcore_axis_name="s", num_cores=NC,
        num_subcores=NS),
    scratch_types=[
        pltpu.VMEM((EPW,), jnp.float32),
        pltpu.VMEM((BITS, ROWS, 128), jnp.int32),
        pltpu.VMEM((BITS, ROWS, 128), jnp.float32),
        pltpu.SemaphoreType.DMA,
    ],
)
def _sc_gather(sample_hbm, table_hbm, out_hbm, samp_v, idx_v, gat_v, sem):
    wid = lax.axis_index("s") * NC + lax.axis_index("c")
    base_e = wid * EPW

    pltpu.sync_copy(sample_hbm.at[pl.ds(base_e, EPW)], samp_v)

    lane = lax.broadcasted_iota(jnp.int32, (L,), 0)

    def build(i, _):
        s = samp_v[pl.ds(i * L, L)]
        q = (s * 256.0).astype(jnp.int32)
        e0 = base_e + i * L
        b = e0 // HW
        hw0 = e0 - b * HW
        base_flat = b * (NODES * HW) + hw0 + lane
        r = i // 8
        col = (i % 8) * L
        for x in range(BITS):
            node = (2 ** x - 1) + lax.shift_right_logical(q, 8 - x)
            idx = base_flat + node * HW
            idx_v[x, r, pl.ds(col, L)] = idx
        return 0

    lax.fori_loop(0, VPW, build, 0)

    for x in range(BITS):
        def fire(r, _, x=x):
            pltpu.async_copy(table_hbm.at[idx_v.at[x, r]], gat_v.at[x, r], sem)
            return 0
        lax.fori_loop(0, ROWS, fire, 0)
    for x in range(BITS):
        def drain(r, _, x=x):
            pltpu.make_async_copy(
                table_hbm.at[idx_v.at[x, r]], gat_v.at[x, r], sem).wait()
            return 0
        lax.fori_loop(0, ROWS, drain, 0)

    for x in range(BITS):
        pltpu.sync_copy(gat_v.at[x], out_hbm.at[x, wid])


def _tc_body(g_ref, s_ref, o_ref):
    s = s_ref[...]
    q = (s * 256.0).astype(jnp.int32)
    total = jnp.zeros((B, HW), jnp.float32)
    for x in range(BITS):
        l = g_ref[x]
        v = ((q >> (7 - x)) & 1).astype(jnp.float32)
        sp = jnp.maximum(l, 0.0) + jnp.log1p(jnp.exp(-jnp.abs(l)))
        total = total + v * l - sp
    o_ref[...] = jnp.sum(total, axis=1)


def kernel(sample, params):
    s_flat = sample.reshape(E)
    table = params.reshape(B * NODES * HW)
    g = _sc_gather(s_flat, table)
    g = g.reshape(BITS, B, HW)
    out = pl.pallas_call(
        _tc_body,
        out_shape=jax.ShapeDtypeStruct((B,), jnp.float32),
    )(g, sample.reshape(B, HW))
    return out

# --- scband reference (transcript-rebuilt; emitter-appended) ---
"""Pipeline reference for scband-factorized-quantized-distribution-41162966565089 (READ-ONLY COPY).

The authoritative reference and input builder live on the scoring server;
editing this copy changes nothing except your own understanding.
"""

import jax, jax.numpy as jnp
import numpy as np

BITS = 8
NUM_BUCKETS = 256  # params.shape[1] + 1


def dec2bin(x, bits):
    mask = (2 ** jnp.arange(bits - 1, -1, -1)).astype(jnp.int32)
    return (jnp.bitwise_and(x[..., None].astype(jnp.int32), mask) != 0).astype(jnp.uint8)


def bin2dec(b, bits):
    mask = (2 ** jnp.arange(bits - 1, -1, -1)).astype(jnp.int32)
    return jnp.sum(mask * b.astype(jnp.int32), axis=-1)


def setup_inputs(seed: int = 0):
    key = jax.random.key(seed)
    k1, k2 = jax.random.split(key)
    params = jax.random.normal(k1, (64, 255, 32, 32), dtype=jnp.float32)
    sample = jax.random.uniform(k2, (64, 32, 32), dtype=jnp.float32)
    return {"sample": sample, "params": params}


def reference(sample, params):
    # FactorizedQuantizedDistribution.log_prob
    bin_sample = dec2bin((sample * NUM_BUCKETS).astype(jnp.uint8), BITS)
    log_prob = 0.0
    for x in range(BITS):
        # prefix bits -> index of the conditional Bernoulli parameter in the binary tree
        param_indx = (2 ** x - 1) + bin2dec(bin_sample[:, :, :, :x], x)  # [B, H, W] int32
        logits = jnp.take_along_axis(params, param_indx[:, None, :, :], axis=1)[:, 0]  # [B, H, W]
        v = bin_sample[:, :, :, x].astype(jnp.float32)
        # Bernoulli(logits).log_prob(v), summed over the last two (H, W) dims (Independent, ndims=2)
        bit_lp = v * jax.nn.log_sigmoid(logits) + (1.0 - v) * jax.nn.log_sigmoid(-logits)
        log_prob = log_prob + jnp.sum(bit_lp, axis=(1, 2))
    return log_prob  # [B]

if __name__ == "__main__":
    import jax
    _d = setup_inputs()
    print(jax.jit(kernel)(*tuple(_d.values())))

</pallas_src>

<mosaic_0001>
#map = affine_map<(d0, d1) -> (0)>
#map1 = affine_map<(d0, d1) -> (0, 0, 0, 0)>
module attributes {stable_mosaic.version = 14 : i64} {
  func.func @_sc_gather(%arg0: i32, %arg1: i32, %arg2: memref<65536xf32, #tpu.memory_space<hbm>>, %arg3: memref<16711680xf32, #tpu.memory_space<hbm>>, %arg4: memref<8x32x16x128xf32, #tpu.memory_space<hbm>>, %arg5: memref<2048xf32, #tpu.memory_space<vmem>>, %arg6: memref<8x16x128xi32, #tpu.memory_space<vmem>>, %arg7: memref<8x16x128xf32, #tpu.memory_space<vmem>>, %arg8: memref<!tpu.dma_semaphore, #tpu.memory_space<semaphore_mem>>) attributes {dimension_semantics = [#tpu.dimension_semantics<core_parallel>, #tpu.dimension_semantics<subcore_parallel>], iteration_bounds = array<i64: 2, 16>, scalar_prefetch = 0 : i64, scratch_operands = 4 : i64, tpu.core_type = #tpu.core_type<sc_vector_subcore>, window_params = [{transform_indices = #map}, {transform_indices = #map}, {transform_indices = #map1}]} {
    %mul3A = arith.constant 2 : i32
    %mul3A_0 = arith.muli %arg1, %mul3A : i32
    %add3A = arith.addi %mul3A_0, %arg0 : i32
    %mul3A_1 = arith.constant 2048 : i32
    %mul3A_2 = arith.muli %add3A, %mul3A_1 : i32
    "tpu.region"() ({
      %run_scoped3A_136 = tpu.sem_alloc : memref<!tpu.dma_semaphore, #tpu.memory_space<semaphore_mem>>
      %dma_start3A = tpu.memref_slice %arg2[%mul3A_2] : memref<65536xf32, #tpu.memory_space<hbm>> -> memref<2048xf32, #tpu.memory_space<hbm>>
      %dma_start3A_137 = tpu.memref_slice %arg2[%mul3A_2] : memref<65536xf32, #tpu.memory_space<hbm>> -> memref<2048xf32, #tpu.memory_space<hbm>>
      tpu.enqueue_dma source(%dma_start3A_137 : memref<2048xf32, #tpu.memory_space<hbm>>) target(%arg5 : memref<2048xf32, #tpu.memory_space<vmem>>) target_semaphore(%run_scoped3A_136 : memref<!tpu.dma_semaphore, #tpu.memory_space<semaphore_mem>>)
      %dma_wait3A = tpu.memref_slice %arg2[%mul3A_2] : memref<65536xf32, #tpu.memory_space<hbm>> -> memref<2048xf32, #tpu.memory_space<hbm>>
      %dma_wait3A_138 = tpu.memref_slice %arg2[%mul3A_2] : memref<65536xf32, #tpu.memory_space<hbm>> -> memref<2048xf32, #tpu.memory_space<hbm>>
      tpu.wait_dma2 semaphore(%run_scoped3A_136 : memref<!tpu.dma_semaphore, #tpu.memory_space<semaphore_mem>>) src(%dma_wait3A_138 : memref<2048xf32, #tpu.memory_space<hbm>>) dst(%arg5 : memref<2048xf32, #tpu.memory_space<vmem>>)
      tpu.yield
    }) : () -> ()
    %iota3A = tpu.iota {dimensions = array<i32: 0>} : vector<16xi32>
    %scan3A = arith.constant 0 : i32
    %scan3A_3 = arith.constant 0 : i32
    %scan3A_4 = arith.constant 128 : i32
    %scan3A_5 = arith.addi %scan3A_3, %scan3A_4 : i32
    %scan3A_6 = arith.constant 1 : i32
    %scan3A_7 = scf.for %scan3A_136 = %scan3A_3 to %scan3A_5 step %scan3A_6 iter_args(%scan3A_137 = %scan3A) -> (i32)  : i32 {
      %mul3A_138 = arith.constant 16 : i32
      %mul3A_139 = arith.muli %scan3A_136, %mul3A_138 : i32
      %get3A = arith.index_cast %mul3A_139 : i32 to index
      %get3A_140 = tpu.vector_load %arg5[%get3A] {strides = array<i32>} : memref<2048xf32, #tpu.memory_space<vmem>>, vector<16xf32>,
      %get3A_141 = vector.shape_cast %get3A_140 : vector<16xf32> to vector<16xf32>
      %mul3A_142 = arith.constant 2.560000e+02 : f32
      %mul3A_143 = vector.broadcast %mul3A_142 : f32 to vector<16xf32>
      %mul3A_144 = arith.mulf %get3A_141, %mul3A_143 : vector<16xf32>
      %convert_element_type3A = arith.fptosi %mul3A_144 : vector<16xf32> to vector<16xi32>
      %mul3A_145 = arith.constant 16 : i32
      %mul3A_146 = arith.muli %scan3A_136, %mul3A_145 : i32
      %add3A_147 = arith.addi %mul3A_2, %mul3A_146 : i32
      %jit3A = arith.constant 1024 : i32
      %div3A = arith.divsi %add3A_147, %jit3A : i32
      %sign3A = arith.constant 0 : i32
      %sign3A_148 = arith.cmpi sgt, %add3A_147, %sign3A : i32
      %sign3A_149 = arith.extui %sign3A_148 : i1 to i32
      %sign3A_150 = arith.constant 0 : i32
      %sign3A_151 = arith.cmpi slt, %add3A_147, %sign3A_150 : i32
      %sign3A_152 = arith.extui %sign3A_151 : i1 to i32
      %sign3A_153 = arith.subi %sign3A_149, %sign3A_152 : i32
      %sign3A_154 = arith.constant 0 : i32
      %sign3A_155 = arith.cmpi sgt, %jit3A, %sign3A_154 : i32
      %sign3A_156 = arith.extui %sign3A_155 : i1 to i32
      %sign3A_157 = arith.constant 0 : i32
      %sign3A_158 = arith.cmpi slt, %jit3A, %sign3A_157 : i32
      %sign3A_159 = arith.extui %sign3A_158 : i1 to i32
      %sign3A_160 = arith.subi %sign3A_156, %sign3A_159 : i32
      %ne3A = arith.cmpi ne, %sign3A_153, %sign3A_160 : i32
      %rem3A = arith.remsi %add3A_147, %jit3A : i32
      %ne3A_161 = arith.constant 0 : i32
      %ne3A_162 = arith.cmpi ne, %rem3A, %ne3A_161 : i32
      %and3A = arith.andi %ne3A, %ne3A_162 : i1
      %sub3A = arith.constant 1 : i32
      %sub3A_163 = arith.subi %div3A, %sub3A : i32
      %select_n3A = arith.select %and3A, %sub3A_163, %div3A : i32
      %mul3A_164 = arith.constant 1024 : i32
      %mul3A_165 = arith.muli %select_n3A, %mul3A_164 : i32
      %sub3A_166 = arith.subi %add3A_147, %mul3A_165 : i32
      %mul3A_167 = arith.constant 261120 : i32
      %mul3A_168 = arith.muli %select_n3A, %mul3A_167 : i32
      %add3A_169 = arith.addi %mul3A_168, %sub3A_166 : i32
      %add3A_170 = vector.broadcast %add3A_169 : i32 to vector<16xi32>
      %add3A_171 = arith.addi %add3A_170, %iota3A : vector<16xi32>
      %jit3A_172 = arith.constant 8 : i32
      %div3A_173 = arith.divsi %scan3A_136, %jit3A_172 : i32
      %sign3A_174 = arith.constant 0 : i32
      %sign3A_175 = arith.cmpi sgt, %scan3A_136, %sign3A_174 : i32
      %sign3A_176 = arith.extui %sign3A_175 : i1 to i32
      %sign3A_177 = arith.constant 0 : i32
      %sign3A_178 = arith.cmpi slt, %scan3A_136, %sign3A_177 : i32
      %sign3A_179 = arith.extui %sign3A_178 : i1 to i32
      %sign3A_180 = arith.subi %sign3A_176, %sign3A_179 : i32
      %sign3A_181 = arith.constant 0 : i32
      %sign3A_182 = arith.cmpi sgt, %jit3A_172, %sign3A_181 : i32
      %sign3A_183 = arith.extui %sign3A_182 : i1 to i32
      %sign3A_184 = arith.constant 0 : i32
      %sign3A_185 = arith.cmpi slt, %jit3A_172, %sign3A_184 : i32
      %sign3A_186 = arith.extui %sign3A_185 : i1 to i32
      %sign3A_187 = arith.subi %sign3A_183, %sign3A_186 : i32
      %ne3A_188 = arith.cmpi ne, %sign3A_180, %sign3A_187 : i32
      %rem3A_189 = arith.remsi %scan3A_136, %jit3A_172 : i32
      %ne3A_190 = arith.constant 0 : i32
      %ne3A_191 = arith.cmpi ne, %rem3A_189, %ne3A_190 : i32
      %and3A_192 = arith.andi %ne3A_188, %ne3A_191 : i1
      %sub3A_193 = arith.constant 1 : i32
      %sub3A_194 = arith.subi %div3A_173, %sub3A_193 : i32
      %select_n3A_195 = arith.select %and3A_192, %sub3A_194, %div3A_173 : i32
      %jit3A_196 = arith.constant 8 : i32
      %eq3A = arith.constant 0 : i32
      %eq3A_197 = arith.cmpi eq, %jit3A_196, %eq3A : i32
      %jit3A_198 = arith.constant 1 : i32
      %select_n3A_199 = arith.select %eq3A_197, %jit3A_198, %jit3A_196 : i32
      %rem3A_200 = arith.remsi %scan3A_136, %select_n3A_199 : i32
      %ne3A_201 = arith.constant 0 : i32
      %ne3A_202 = arith.cmpi ne, %rem3A_200, %ne3A_201 : i32
      %lt3A = arith.constant 0 : i32
      %lt3A_203 = arith.cmpi slt, %rem3A_200, %lt3A : i32
      %lt3A_204 = arith.constant 0 : i32
      %lt3A_205 = arith.cmpi slt, %select_n3A_199, %lt3A_204 : i32
      %ne3A_206 = arith.xori %lt3A_203, %lt3A_205 : i1
      %and3A_207 = arith.andi %ne3A_206, %ne3A_202 : i1
      %add3A_208 = arith.addi %rem3A_200, %select_n3A_199 : i32
      %select_n3A_209 = arith.select %and3A_207, %add3A_208, %rem3A_200 : i32
      %mul3A_210 = arith.constant 16 : i32
      %mul3A_211 = arith.muli %select_n3A_209, %mul3A_210 : i32
      %shift_right_logical3A = arith.constant 8 : i32
      %shift_right_logical3A_212 = vector.broadcast %shift_right_logical3A : i32 to vector<16xi32>
      %shift_right_logical3A_213 = arith.shrui %convert_element_type3A, %shift_right_logical3A_212 : vector<16xi32>
      %add3A_214 = arith.constant 0 : i32
      %add3A_215 = vector.broadcast %add3A_214 : i32 to vector<16xi32>
      %add3A_216 = arith.addi %add3A_215, %shift_right_logical3A_213 : vector<16xi32>
      %mul3A_217 = arith.constant 1024 : i32
      %mul3A_218 = vector.broadcast %mul3A_217 : i32 to vector<16xi32>
      %mul3A_219 = arith.muli %add3A_216, %mul3A_218 : vector<16xi32>
      %add3A_220 = arith.addi %add3A_171, %mul3A_219 : vector<16xi32>
      %swap3A = arith.constant 0 : i32
      %swap3A_221 = arith.index_cast %swap3A : i32 to index
      %swap3A_222 = arith.index_cast %select_n3A_195 : i32 to index
      %swap3A_223 = arith.index_cast %mul3A_211 : i32 to index
      %swap3A_224 = tpu.vector_load %arg6[%swap3A_221, %swap3A_222, %swap3A_223] {strides = array<i32>} : memref<8x16x128xi32, #tpu.memory_space<vmem>>, vector<1x1x16xi32>,
      %swap3A_225 = vector.shape_cast %swap3A_224 : vector<1x1x16xi32> to vector<16xi32>
      %swap3A_226 = vector.shape_cast %add3A_220 : vector<16xi32> to vector<1x1x16xi32>
      tpu.vector_store %arg6[%swap3A_221, %swap3A_222, %swap3A_223], %swap3A_226 {strides = array<i32>} : memref<8x16x128xi32, #tpu.memory_space<vmem>>, vector<1x1x16xi32>,
      %shift_right_logical3A_227 = arith.constant 7 : i32
      %shift_right_logical3A_228 = vector.broadcast %shift_right_logical3A_227 : i32 to vector<16xi32>
      %shift_right_logical3A_229 = arith.shrui %convert_element_type3A, %shift_right_logical3A_228 : vector<16xi32>
      %add3A_230 = arith.constant 1 : i32
      %add3A_231 = vector.broadcast %add3A_230 : i32 to vector<16xi32>
      %add3A_232 = arith.addi %add3A_231, %shift_right_logical3A_229 : vector<16xi32>
      %mul3A_233 = arith.constant 1024 : i32
      %mul3A_234 = vector.broadcast %mul3A_233 : i32 to vector<16xi32>
      %mul3A_235 = arith.muli %add3A_232, %mul3A_234 : vector<16xi32>
      %add3A_236 = arith.addi %add3A_171, %mul3A_235 : vector<16xi32>
      %swap3A_237 = arith.constant 1 : i32
      %swap3A_238 = arith.index_cast %swap3A_237 : i32 to index
      %swap3A_239 = arith.index_cast %select_n3A_195 : i32 to index
      %swap3A_240 = arith.index_cast %mul3A_211 : i32 to index
      %swap3A_241 = tpu.vector_load %arg6[%swap3A_238, %swap3A_239, %swap3A_240] {strides = array<i32>} : memref<8x16x128xi32, #tpu.memory_space<vmem>>, vector<1x1x16xi32>,
      %swap3A_242 = vector.shape_cast %swap3A_241 : vector<1x1x16xi32> to vector<16xi32>
      %swap3A_243 = vector.shape_cast %add3A_236 : vector<16xi32> to vector<1x1x16xi32>
      tpu.vector_store %arg6[%swap3A_238, %swap3A_239, %swap3A_240], %swap3A_243 {strides = array<i32>} : memref<8x16x128xi32, #tpu.memory_space<vmem>>, vector<1x1x16xi32>,
      %shift_right_logical3A_244 = arith.constant 6 : i32
      %shift_right_logical3A_245 = vector.broadcast %shift_right_logical3A_244 : i32 to vector<16xi32>
      %shift_right_logical3A_246 = arith.shrui %convert_element_type3A, %shift_right_logical3A_245 : vector<16xi32>
      %add3A_247 = arith.constant 3 : i32
      %add3A_248 = vector.broadcast %add3A_247 : i32 to vector<16xi32>
      %add3A_249 = arith.addi %add3A_248, %shift_right_logical3A_246 : vector<16xi32>
      %mul3A_250 = arith.constant 1024 : i32
      %mul3A_251 = vector.broadcast %mul3A_250 : i32 to vector<16xi32>
      %mul3A_252 = arith.muli %add3A_249, %mul3A_251 : vector<16xi32>
      %add3A_253 = arith.addi %add3A_171, %mul3A_252 : vector<16xi32>
      %swap3A_254 = arith.constant 2 : i32
      %swap3A_255 = arith.index_cast %swap3A_254 : i32 to index
      %swap3A_256 = arith.index_cast %select_n3A_195 : i32 to index
      %swap3A_257 = arith.index_cast %mul3A_211 : i32 to index
      %swap3A_258 = tpu.vector_load %arg6[%swap3A_255, %swap3A_256, %swap3A_257] {strides = array<i32>} : memref<8x16x128xi32, #tpu.memory_space<vmem>>, vector<1x1x16xi32>,
      %swap3A_259 = vector.shape_cast %swap3A_258 : vector<1x1x16xi32> to vector<16xi32>
      %swap3A_260 = vector.shape_cast %add3A_253 : vector<16xi32> to vector<1x1x16xi32>
      tpu.vector_store %arg6[%swap3A_255, %swap3A_256, %swap3A_257], %swap3A_260 {strides = array<i32>} : memref<8x16x128xi32, #tpu.memory_space<vmem>>, vector<1x1x16xi32>,
      %shift_right_logical3A_261 = arith.constant 5 : i32
      %shift_right_logical3A_262 = vector.broadcast %shift_right_logical3A_261 : i32 to vector<16xi32>
      %shift_right_logical3A_263 = arith.shrui %convert_element_type3A, %shift_right_logical3A_262 : vector<16xi32>
      %add3A_264 = arith.constant 7 : i32
      %add3A_265 = vector.broadcast %add3A_264 : i32 to vector<16xi32>
      %add3A_266 = arith.addi %add3A_265, %shift_right_logical3A_263 : vector<16xi32>
      %mul3A_267 = arith.constant 1024 : i32
      %mul3A_268 = vector.broadcast %mul3A_267 : i32 to vector<16xi32>
      %mul3A_269 = arith.muli %add3A_266, %mul3A_268 : vector<16xi32>
      %add3A_270 = arith.addi %add3A_171, %mul3A_269 : vector<16xi32>
      %swap3A_271 = arith.constant 3 : i32
      %swap3A_272 = arith.index_cast %swap3A_271 : i32 to index
      %swap3A_273 = arith.index_cast %select_n3A_195 : i32 to index
      %swap3A_274 = arith.index_cast %mul3A_211 : i32 to index
      %swap3A_275 = tpu.vector_load %arg6[%swap3A_272, %swap3A_273, %swap3A_274] {strides = array<i32>} : memref<8x16x128xi32, #tpu.memory_space<vmem>>, vector<1x1x16xi32>,
      %swap3A_276 = vector.shape_cast %swap3A_275 : vector<1x1x16xi32> to vector<16xi32>
      %swap3A_277 = vector.shape_cast %add3A_270 : vector<16xi32> to vector<1x1x16xi32>
      tpu.vector_store %arg6[%swap3A_272, %swap3A_273, %swap3A_274], %swap3A_277 {strides = array<i32>} : memref<8x16x128xi32, #tpu.memory_space<vmem>>, vector<1x1x16xi32>,
      %shift_right_logical3A_278 = arith.constant 4 : i32
      %shift_right_logical3A_279 = vector.broadcast %shift_right_logical3A_278 : i32 to vector<16xi32>
      %shift_right_logical3A_280 = arith.shrui %convert_element_type3A, %shift_right_logical3A_279 : vector<16xi32>
      %add3A_281 = arith.constant 15 : i32
      %add3A_282 = vector.broadcast %add3A_281 : i32 to vector<16xi32>
      %add3A_283 = arith.addi %add3A_282, %shift_right_logical3A_280 : vector<16xi32>
      %mul3A_284 = arith.constant 1024 : i32
      %mul3A_285 = vector.broadcast %mul3A_284 : i32 to vector<16xi32>
      %mul3A_286 = arith.muli %add3A_283, %mul3A_285 : vector<16xi32>
      %add3A_287 = arith.addi %add3A_171, %mul3A_286 : vector<16xi32>
      %swap3A_288 = arith.constant 4 : i32
      %swap3A_289 = arith.index_cast %swap3A_288 : i32 to index
      %swap3A_290 = arith.index_cast %select_n3A_195 : i32 to index
      %swap3A_291 = arith.index_cast %mul3A_211 : i32 to index
      %swap3A_292 = tpu.vector_load %arg6[%swap3A_289, %swap3A_290, %swap3A_291] {strides = array<i32>} : memref<8x16x128xi32, #tpu.memory_space<vmem>>, vector<1x1x16xi32>,
      %swap3A_293 = vector.shape_cast %swap3A_292 : vector<1x1x16xi32> to vector<16xi32>
      %swap3A_294 = vector.shape_cast %add3A_287 : vector<16xi32> to vector<1x1x16xi32>
      tpu.vector_store %arg6[%swap3A_289, %swap3A_290, %swap3A_291], %swap3A_294 {strides = array<i32>} : memref<8x16x128xi32, #tpu.memory_space<vmem>>, vector<1x1x16xi32>,
      %shift_right_logical3A_295 = arith.constant 3 : i32
      %shift_right_logical3A_296 = vector.broadcast %shift_right_logical3A_295 : i32 to vector<16xi32>
      %shift_right_logical3A_297 = arith.shrui %convert_element_type3A, %shift_right_logical3A_296 : vector<16xi32>
      %add3A_298 = arith.constant 31 : i32
      %add3A_299 = vector.broadcast %add3A_298 : i32 to vector<16xi32>
      %add3A_300 = arith.addi %add3A_299, %shift_right_logical3A_297 : vector<16xi32>
      %mul3A_301 = arith.constant 1024 : i32
      %mul3A_302 = vector.broadcast %mul3A_301 : i32 to vector<16xi32>
      %mul3A_303 = arith.muli %add3A_300, %mul3A_302 : vector<16xi32>
      %add3A_304 = arith.addi %add3A_171, %mul3A_303 : vector<16xi32>
      %swap3A_305 = arith.constant 5 : i32
      %swap3A_306 = arith.index_cast %swap3A_305 : i32 to index
      %swap3A_307 = arith.index_cast %select_n3A_195 : i32 to index
      %swap3A_308 = arith.index_cast %mul3A_211 : i32 to index
      %swap3A_309 = tpu.vector_load %arg6[%swap3A_306, %swap3A_307, %swap3A_308] {strides = array<i32>} : memref<8x16x128xi32, #tpu.memory_space<vmem>>, vector<1x1x16xi32>,
      %swap3A_310 = vector.shape_cast %swap3A_309 : vector<1x1x16xi32> to vector<16xi32>
      %swap3A_311 = vector.shape_cast %add3A_304 : vector<16xi32> to vector<1x1x16xi32>
      tpu.vector_store %arg6[%swap3A_306, %swap3A_307, %swap3A_308], %swap3A_311 {strides = array<i32>} : memref<8x16x128xi32, #tpu.memory_space<vmem>>, vector<1x1x16xi32>,
      %shift_right_logical3A_312 = arith.constant 2 : i32
      %shift_right_logical3A_313 = vector.broadcast %shift_right_logical3A_312 : i32 to vector<16xi32>
      %shift_right_logical3A_314 = arith.shrui %convert_element_type3A, %shift_right_logical3A_313 : vector<16xi32>
      %add3A_315 = arith.constant 63 : i32
      %add3A_316 = vector.broadcast %add3A_315 : i32 to vector<16xi32>
      %add3A_317 = arith.addi %add3A_316, %shift_right_logical3A_314 : vector<16xi32>
      %mul3A_318 = arith.constant 1024 : i32
      %mul3A_319 = vector.broadcast %mul3A_318 : i32 to vector<16xi32>
      %mul3A_320 = arith.muli %add3A_317, %mul3A_319 : vector<16xi32>
      %add3A_321 = arith.addi %add3A_171, %mul3A_320 : vector<16xi32>
      %swap3A_322 = arith.constant 6 : i32
      %swap3A_323 = arith.index_cast %swap3A_322 : i32 to index
      %swap3A_324 = arith.index_cast %select_n3A_195 : i32 to index
      %swap3A_325 = arith.index_cast %mul3A_211 : i32 to index
      %swap3A_326 = tpu.vector_load %arg6[%swap3A_323, %swap3A_324, %swap3A_325] {strides = array<i32>} : memref<8x16x128xi32, #tpu.memory_space<vmem>>, vector<1x1x16xi32>,
      %swap3A_327 = vector.shape_cast %swap3A_326 : vector<1x1x16xi32> to vector<16xi32>
      %swap3A_328 = vector.shape_cast %add3A_321 : vector<16xi32> to vector<1x1x16xi32>
      tpu.vector_store %arg6[%swap3A_323, %swap3A_324, %swap3A_325], %swap3A_328 {strides = array<i32>} : memref<8x16x128xi32, #tpu.memory_space<vmem>>, vector<1x1x16xi32>,
      %shift_right_logical3A_329 = arith.constant 1 : i32
      %shift_right_logical3A_330 = vector.broadcast %shift_right_logical3A_329 : i32 to vector<16xi32>
      %shift_right_logical3A_331 = arith.shrui %convert_element_type3A, %shift_right_logical3A_330 : vector<16xi32>
      %add3A_332 = arith.constant 127 : i32
      %add3A_333 = vector.broadcast %add3A_332 : i32 to vector<16xi32>
      %add3A_334 = arith.addi %add3A_333, %shift_right_logical3A_331 : vector<16xi32>
      %mul3A_335 = arith.constant 1024 : i32
      %mul3A_336 = vector.broadcast %mul3A_335 : i32 to vector<16xi32>
      %mul3A_337 = arith.muli %add3A_334, %mul3A_336 : vector<16xi32>
      %add3A_338 = arith.addi %add3A_171, %mul3A_337 : vector<16xi32>
      %swap3A_339 = arith.constant 7 : i32
      %swap3A_340 = arith.index_cast %swap3A_339 : i32 to index
      %swap3A_341 = arith.index_cast %select_n3A_195 : i32 to index
      %swap3A_342 = arith.index_cast %mul3A_211 : i32 to index
      %swap3A_343 = tpu.vector_load %arg6[%swap3A_340, %swap3A_341, %swap3A_342] {strides = array<i32>} : memref<8x16x128xi32, #tpu.memory_space<vmem>>, vector<1x1x16xi32>,
      %swap3A_344 = vector.shape_cast %swap3A_343 : vector<1x1x16xi32> to vector<16xi32>
      %swap3A_345 = vector.shape_cast %add3A_338 : vector<16xi32> to vector<1x1x16xi32>
      tpu.vector_store %arg6[%swap3A_340, %swap3A_341, %swap3A_342], %swap3A_345 {strides = array<i32>} : memref<8x16x128xi32, #tpu.memory_space<vmem>>, vector<1x1x16xi32>,
      %scan3A_346 = arith.constant 0 : i32
      scf.yield %scan3A_346 : i32
    }
    %scan3A_8 = arith.constant 128 : i32
    %scan3A_9 = arith.constant 0 : i32
    %scan3A_10 = arith.constant 0 : i32
    %scan3A_11 = arith.constant 16 : i32
    %scan3A_12 = arith.addi %scan3A_10, %scan3A_11 : i32
    %scan3A_13 = arith.constant 1 : i32
    %scan3A_14 = scf.for %scan3A_136 = %scan3A_10 to %scan3A_12 step %scan3A_13 iter_args(%scan3A_137 = %scan3A_9) -> (i32)  : i32 {
      %dma_start3A = arith.constant 0 : i32
      %dma_start3A_138 = arith.constant 0 : i32
      %dma_start3A_139 = arith.constant 0 : i32
      %dma_start3A_140 = tpu.memref_slice %arg7[%dma_start3A_138, %scan3A_136, %dma_start3A_139] : memref<8x16x128xf32, #tpu.memory_space<vmem>> -> memref<1x1x128xf32, #tpu.memory_space<vmem>>
      %dma_start3A_141 = tpu.memref_squeeze %dma_start3A_140 : memref<1x1x128xf32, #tpu.memory_space<vmem>> -> memref<128xf32, #tpu.memory_space<vmem>>
      %dma_start3A_142 = arith.constant 0 : i32
      %dma_start3A_143 = tpu.memref_slice %arg6[%dma_start3A, %scan3A_136, %dma_start3A_142] : memref<8x16x128xi32, #tpu.memory_space<vmem>> -> memref<1x1x128xi32, #tpu.memory_space<vmem>>
      %dma_start3A_144 = tpu.memref_squeeze %dma_start3A_143 : memref<1x1x128xi32, #tpu.memory_space<vmem>> -> memref<128xi32, #tpu.memory_space<vmem>>
      %dma_start3A_145 = arith.constant 0 : i32
      %dma_start3A_146 = tpu.memref_slice %arg3[%dma_start3A_145] : memref<16711680xf32, #tpu.memory_space<hbm>> -> memref<16711680xf32, #tpu.memory_space<hbm>>
      tpu.enqueue_indirect_dma source(%dma_start3A_146 : memref<16711680xf32, #tpu.memory_space<hbm>>) target(%dma_start3A_141 : memref<128xf32, #tpu.memory_space<vmem>>) offsets(%dma_start3A_144 : memref<128xi32, #tpu.memory_space<vmem>>) semaphore(%arg8 : memref<!tpu.dma_semaphore, #tpu.memory_space<semaphore_mem>>)
      %scan3A_147 = arith.constant 0 : i32
      scf.yield %scan3A_147 : i32
    }
    %scan3A_15 = arith.constant 16 : i32
    %scan3A_16 = arith.constant 0 : i32
    %scan3A_17 = arith.constant 0 : i32
    %scan3A_18 = arith.constant 16 : i32
    %scan3A_19 = arith.addi %scan3A_17, %scan3A_18 : i32
    %scan3A_20 = arith.constant 1 : i32
    %scan3A_21 = scf.for %scan3A_136 = %scan3A_17 to %scan3A_19 step %scan3A_20 iter_args(%scan3A_137 = %scan3A_16) -> (i32)  : i32 {
      %dma_start3A = arith.constant 1 : i32
      %dma_start3A_138 = arith.constant 1 : i32
      %dma_start3A_139 = arith.constant 0 : i32
      %dma_start3A_140 = tpu.memref_slice %arg7[%dma_start3A_138, %scan3A_136, %dma_start3A_139] : memref<8x16x128xf32, #tpu.memory_space<vmem>> -> memref<1x1x128xf32, #tpu.memory_space<vmem>>
      %dma_start3A_141 = tpu.memref_squeeze %dma_start3A_140 : memref<1x1x128xf32, #tpu.memory_space<vmem>> -> memref<128xf32, #tpu.memory_space<vmem>>
      %dma_start3A_142 = arith.constant 0 : i32
      %dma_start3A_143 = tpu.memref_slice %arg6[%dma_start3A, %scan3A_136, %dma_start3A_142] : memref<8x16x128xi32, #tpu.memory_space<vmem>> -> memref<1x1x128xi32, #tpu.memory_space<vmem>>
      %dma_start3A_144 = tpu.memref_squeeze %dma_start3A_143 : memref<1x1x128xi32, #tpu.memory_space<vmem>> -> memref<128xi32, #tpu.memory_space<vmem>>
      %dma_start3A_145 = arith.constant 0 : i32
      %dma_start3A_146 = tpu.memref_slice %arg3[%dma_start3A_145] : memref<16711680xf32, #tpu.memory_space<hbm>> -> memref<16711680xf32, #tpu.memory_space<hbm>>
      tpu.enqueue_indirect_dma source(%dma_start3A_146 : memref<16711680xf32, #tpu.memory_space<hbm>>) target(%dma_start3A_141 : memref<128xf32, #tpu.memory_space<vmem>>) offsets(%dma_start3A_144 : memref<128xi32, #tpu.memory_space<vmem>>) semaphore(%arg8 : memref<!tpu.dma_semaphore, #tpu.memory_space<semaphore_mem>>)
      %scan3A_147 = arith.constant 0 : i32
      scf.yield %scan3A_147 : i32
    }
    %scan3A_22 = arith.constant 16 : i32
    %scan3A_23 = arith.constant 0 : i32
    %scan3A_24 = arith.constant 0 : i32
    %scan3A_25 = arith.constant 16 : i32
    %scan3A_26 = arith.addi %scan3A_24, %scan3A_25 : i32
    %scan3A_27 = arith.constant 1 : i32
    %scan3A_28 = scf.for %scan3A_136 = %scan3A_24 to %scan3A_26 step %scan3A_27 iter_args(%scan3A_137 = %scan3A_23) -> (i32)  : i32 {
      %dma_start3A = arith.constant 2 : i32
      %dma_start3A_138 = arith.constant 2 : i32
      %dma_start3A_139 = arith.constant 0 : i32
      %dma_start3A_140 = tpu.memref_slice %arg7[%dma_start3A_138, %scan3A_136, %dma_start3A_139] : memref<8x16x128xf32, #tpu.memory_space<vmem>> -> memref<1x1x128xf32, #tpu.memory_space<vmem>>
      %dma_start3A_141 = tpu.memref_squeeze %dma_start3A_140 : memref<1x1x128xf32, #tpu.memory_space<vmem>> -> memref<128xf32, #tpu.memory_space<vmem>>
      %dma_start3A_142 = arith.constant 0 : i32
      %dma_start3A_143 = tpu.memref_slice %arg6[%dma_start3A, %scan3A_136, %dma_start3A_142] : memref<8x16x128xi32, #tpu.memory_space<vmem>> -> memref<1x1x128xi32, #tpu.memory_space<vmem>>
      %dma_start3A_144 = tpu.memref_squeeze %dma_start3A_143 : memref<1x1x128xi32, #tpu.memory_space<vmem>> -> memref<128xi32, #tpu.memory_space<vmem>>
      %dma_start3A_145 = arith.constant 0 : i32
      %dma_start3A_146 = tpu.memref_slice %arg3[%dma_start3A_145] : memref<16711680xf32, #tpu.memory_space<hbm>> -> memref<16711680xf32, #tpu.memory_space<hbm>>
      tpu.enqueue_indirect_dma source(%dma_start3A_146 : memref<16711680xf32, #tpu.memory_space<hbm>>) target(%dma_start3A_141 : memref<128xf32, #tpu.memory_space<vmem>>) offsets(%dma_start3A_144 : memref<128xi32, #tpu.memory_space<vmem>>) semaphore(%arg8 : memref<!tpu.dma_semaphore, #tpu.memory_space<semaphore_mem>>)
      %scan3A_147 = arith.constant 0 : i32
      scf.yield %scan3A_147 : i32
    }
    %scan3A_29 = arith.constant 16 : i32
    %scan3A_30 = arith.constant 0 : i32
    %scan3A_31 = arith.constant 0 : i32
    %scan3A_32 = arith.constant 16 : i32
    %scan3A_33 = arith.addi %scan3A_31, %scan3A_32 : i32
    %scan3A_34 = arith.constant 1 : i32
    %scan3A_35 = scf.for %scan3A_136 = %scan3A_31 to %scan3A_33 step %scan3A_34 iter_args(%scan3A_137 = %scan3A_30) -> (i32)  : i32 {
      %dma_start3A = arith.constant 3 : i32
      %dma_start3A_138 = arith.constant 3 : i32
      %dma_start3A_139 = arith.constant 0 : i32
      %dma_start3A_140 = tpu.memref_slice %arg7[%dma_start3A_138, %scan3A_136, %dma_start3A_139] : memref<8x16x128xf32, #tpu.memory_space<vmem>> -> memref<1x1x128xf32, #tpu.memory_space<vmem>>
      %dma_start3A_141 = tpu.memref_squeeze %dma_start3A_140 : memref<1x1x128xf32, #tpu.memory_space<vmem>> -> memref<128xf32, #tpu.memory_space<vmem>>
      %dma_start3A_142 = arith.constant 0 : i32
      %dma_start3A_143 = tpu.memref_slice %arg6[%dma_start3A, %scan3A_136, %dma_start3A_142] : memref<8x16x128xi32, #tpu.memory_space<vmem>> -> memref<1x1x128xi32, #tpu.memory_space<vmem>>
      %dma_start3A_144 = tpu.memref_squeeze %dma_start3A_143 : memref<1x1x128xi32, #tpu.memory_space<vmem>> -> memref<128xi32, #tpu.memory_space<vmem>>
      %dma_start3A_145 = arith.constant 0 : i32
      %dma_start3A_146 = tpu.memref_slice %arg3[%dma_start3A_145] : memref<16711680xf32, #tpu.memory_space<hbm>> -> memref<16711680xf32, #tpu.memory_space<hbm>>
      tpu.enqueue_indirect_dma source(%dma_start3A_146 : memref<16711680xf32, #tpu.memory_space<hbm>>) target(%dma_start3A_141 : memref<128xf32, #tpu.memory_space<vmem>>) offsets(%dma_start3A_144 : memref<128xi32, #tpu.memory_space<vmem>>) semaphore(%arg8 : memref<!tpu.dma_semaphore, #tpu.memory_space<semaphore_mem>>)
      %scan3A_147 = arith.constant 0 : i32
      scf.yield %scan3A_147 : i32
    }
    %scan3A_36 = arith.constant 16 : i32
    %scan3A_37 = arith.constant 0 : i32
    %scan3A_38 = arith.constant 0 : i32
    %scan3A_39 = arith.constant 16 : i32
    %scan3A_40 = arith.addi %scan3A_38, %scan3A_39 : i32
    %scan3A_41 = arith.constant 1 : i32
    %scan3A_42 = scf.for %scan3A_136 = %scan3A_38 to %scan3A_40 step %scan3A_41 iter_args(%scan3A_137 = %scan3A_37) -> (i32)  : i32 {
      %dma_start3A = arith.constant 4 : i32
      %dma_start3A_138 = arith.constant 4 : i32
      %dma_start3A_139 = arith.constant 0 : i32
      %dma_start3A_140 = tpu.memref_slice %arg7[%dma_start3A_138, %scan3A_136, %dma_start3A_139] : memref<8x16x128xf32, #tpu.memory_space<vmem>> -> memref<1x1x128xf32, #tpu.memory_space<vmem>>
      %dma_start3A_141 = tpu.memref_squeeze %dma_start3A_140 : memref<1x1x128xf32, #tpu.memory_space<vmem>> -> memref<128xf32, #tpu.memory_space<vmem>>
      %dma_start3A_142 = arith.constant 0 : i32
      %dma_start3A_143 = tpu.memref_slice %arg6[%dma_start3A, %scan3A_136, %dma_start3A_142] : memref<8x16x128xi32, #tpu.memory_space<vmem>> -> memref<1x1x128xi32, #tpu.memory_space<vmem>>
      %dma_start3A_144 = tpu.memref_squeeze %dma_start3A_143 : memref<1x1x128xi32, #tpu.memory_space<vmem>> -> memref<128xi32, #tpu.memory_space<vmem>>
      %dma_start3A_145 = arith.constant 0 : i32
      %dma_start3A_146 = tpu.memref_slice %arg3[%dma_start3A_145] : memref<16711680xf32, #tpu.memory_space<hbm>> -> memref<16711680xf32, #tpu.memory_space<hbm>>
      tpu.enqueue_indirect_dma source(%dma_start3A_146 : memref<16711680xf32, #tpu.memory_space<hbm>>) target(%dma_start3A_141 : memref<128xf32, #tpu.memory_space<vmem>>) offsets(%dma_start3A_144 : memref<128xi32, #tpu.memory_space<vmem>>) semaphore(%arg8 : memref<!tpu.dma_semaphore, #tpu.memory_space<semaphore_mem>>)
      %scan3A_147 = arith.constant 0 : i32
      scf.yield %scan3A_147 : i32
    }
    %scan3A_43 = arith.constant 16 : i32
    %scan3A_44 = arith.constant 0 : i32
    %scan3A_45 = arith.constant 0 : i32
    %scan3A_46 = arith.constant 16 : i32
    %scan3A_47 = arith.addi %scan3A_45, %scan3A_46 : i32
    %scan3A_48 = arith.constant 1 : i32
    %scan3A_49 = scf.for %scan3A_136 = %scan3A_45 to %scan3A_47 step %scan3A_48 iter_args(%scan3A_137 = %scan3A_44) -> (i32)  : i32 {
      %dma_start3A = arith.constant 5 : i32
      %dma_start3A_138 = arith.constant 5 : i32
      %dma_start3A_139 = arith.constant 0 : i32
      %dma_start3A_140 = tpu.memref_slice %arg7[%dma_start3A_138, %scan3A_136, %dma_start3A_139] : memref<8x16x128xf32, #tpu.memory_space<vmem>> -> memref<1x1x128xf32, #tpu.memory_space<vmem>>
      %dma_start3A_141 = tpu.memref_squeeze %dma_start3A_140 : memref<1x1x128xf32, #tpu.memory_space<vmem>> -> memref<128xf32, #tpu.memory_space<vmem>>
      %dma_start3A_142 = arith.constant 0 : i32
      %dma_start3A_143 = tpu.memref_slice %arg6[%dma_start3A, %scan3A_136, %dma_start3A_142] : memref<8x16x128xi32, #tpu.memory_space<vmem>> -> memref<1x1x128xi32, #tpu.memory_space<vmem>>
      %dma_start3A_144 = tpu.memref_squeeze %dma_start3A_143 : memref<1x1x128xi32, #tpu.memory_space<vmem>> -> memref<128xi32, #tpu.memory_space<vmem>>
      %dma_start3A_145 = arith.constant 0 : i32
      %dma_start3A_146 = tpu.memref_slice %arg3[%dma_start3A_145] : memref<16711680xf32, #tpu.memory_space<hbm>> -> memref<16711680xf32, #tpu.memory_space<hbm>>
      tpu.enqueue_indirect_dma source(%dma_start3A_146 : memref<16711680xf32, #tpu.memory_space<hbm>>) target(%dma_start3A_141 : memref<128xf32, #tpu.memory_space<vmem>>) offsets(%dma_start3A_144 : memref<128xi32, #tpu.memory_space<vmem>>) semaphore(%arg8 : memref<!tpu.dma_semaphore, #tpu.memory_space<semaphore_mem>>)
      %scan3A_147 = arith.constant 0 : i32
      scf.yield %scan3A_147 : i32
    }
    %scan3A_50 = arith.constant 16 : i32
    %scan3A_51 = arith.constant 0 : i32
    %scan3A_52 = arith.constant 0 : i32
    %scan3A_53 = arith.constant 16 : i32
    %scan3A_54 = arith.addi %scan3A_52, %scan3A_53 : i32
    %scan3A_55 = arith.constant 1 : i32
    %scan3A_56 = scf.for %scan3A_136 = %scan3A_52 to %scan3A_54 step %scan3A_55 iter_args(%scan3A_137 = %scan3A_51) -> (i32)  : i32 {
      %dma_start3A = arith.constant 6 : i32
      %dma_start3A_138 = arith.constant 6 : i32
      %dma_start3A_139 = arith.constant 0 : i32
      %dma_start3A_140 = tpu.memref_slice %arg7[%dma_start3A_138, %scan3A_136, %dma_start3A_139] : memref<8x16x128xf32, #tpu.memory_space<vmem>> -> memref<1x1x128xf32, #tpu.memory_space<vmem>>
      %dma_start3A_141 = tpu.memref_squeeze %dma_start3A_140 : memref<1x1x128xf32, #tpu.memory_space<vmem>> -> memref<128xf32, #tpu.memory_space<vmem>>
      %dma_start3A_142 = arith.constant 0 : i32
      %dma_start3A_143 = tpu.memref_slice %arg6[%dma_start3A, %scan3A_136, %dma_start3A_142] : memref<8x16x128xi32, #tpu.memory_space<vmem>> -> memref<1x1x128xi32, #tpu.memory_space<vmem>>
      %dma_start3A_144 = tpu.memref_squeeze %dma_start3A_143 : memref<1x1x128xi32, #tpu.memory_space<vmem>> -> memref<128xi32, #tpu.memory_space<vmem>>
      %dma_start3A_145 = arith.constant 0 : i32
      %dma_start3A_146 = tpu.memref_slice %arg3[%dma_start3A_145] : memref<16711680xf32, #tpu.memory_space<hbm>> -> memref<16711680xf32, #tpu.memory_space<hbm>>
      tpu.enqueue_indirect_dma source(%dma_start3A_146 : memref<16711680xf32, #tpu.memory_space<hbm>>) target(%dma_start3A_141 : memref<128xf32, #tpu.memory_space<vmem>>) offsets(%dma_start3A_144 : memref<128xi32, #tpu.memory_space<vmem>>) semaphore(%arg8 : memref<!tpu.dma_semaphore, #tpu.memory_space<semaphore_mem>>)
      %scan3A_147 = arith.constant 0 : i32
      scf.yield %scan3A_147 : i32
    }
    %scan3A_57 = arith.constant 16 : i32
    %scan3A_58 = arith.constant 0 : i32
    %scan3A_59 = arith.constant 0 : i32
    %scan3A_60 = arith.constant 16 : i32
    %scan3A_61 = arith.addi %scan3A_59, %scan3A_60 : i32
    %scan3A_62 = arith.constant 1 : i32
    %scan3A_63 = scf.for %scan3A_136 = %scan3A_59 to %scan3A_61 step %scan3A_62 iter_args(%scan3A_137 = %scan3A_58) -> (i32)  : i32 {
      %dma_start3A = arith.constant 7 : i32
      %dma_start3A_138 = arith.constant 7 : i32
      %dma_start3A_139 = arith.constant 0 : i32
      %dma_start3A_140 = tpu.memref_slice %arg7[%dma_start3A_138, %scan3A_136, %dma_start3A_139] : memref<8x16x128xf32, #tpu.memory_space<vmem>> -> memref<1x1x128xf32, #tpu.memory_space<vmem>>
      %dma_start3A_141 = tpu.memref_squeeze %dma_start3A_140 : memref<1x1x128xf32, #tpu.memory_space<vmem>> -> memref<128xf32, #tpu.memory_space<vmem>>
      %dma_start3A_142 = arith.constant 0 : i32
      %dma_start3A_143 = tpu.memref_slice %arg6[%dma_start3A, %scan3A_136, %dma_start3A_142] : memref<8x16x128xi32, #tpu.memory_space<vmem>> -> memref<1x1x128xi32, #tpu.memory_space<vmem>>
      %dma_start3A_144 = tpu.memref_squeeze %dma_start3A_143 : memref<1x1x128xi32, #tpu.memory_space<vmem>> -> memref<128xi32, #tpu.memory_space<vmem>>
      %dma_start3A_145 = arith.constant 0 : i32
      %dma_start3A_146 = tpu.memref_slice %arg3[%dma_start3A_145] : memref<16711680xf32, #tpu.memory_space<hbm>> -> memref<16711680xf32, #tpu.memory_space<hbm>>
      tpu.enqueue_indirect_dma source(%dma_start3A_146 : memref<16711680xf32, #tpu.memory_space<hbm>>) target(%dma_start3A_141 : memref<128xf32, #tpu.memory_space<vmem>>) offsets(%dma_start3A_144 : memref<128xi32, #tpu.memory_space<vmem>>) semaphore(%arg8 : memref<!tpu.dma_semaphore, #tpu.memory_space<semaphore_mem>>)
      %scan3A_147 = arith.constant 0 : i32
      scf.yield %scan3A_147 : i32
    }
    %scan3A_64 = arith.constant 16 : i32
    %scan3A_65 = arith.constant 0 : i32
    %scan3A_66 = arith.constant 0 : i32
    %scan3A_67 = arith.constant 16 : i32
    %scan3A_68 = arith.addi %scan3A_66, %scan3A_67 : i32
    %scan3A_69 = arith.constant 1 : i32
    %scan3A_70 = scf.for %scan3A_136 = %scan3A_66 to %scan3A_68 step %scan3A_69 iter_args(%scan3A_137 = %scan3A_65) -> (i32)  : i32 {
      %dma_wait3A = arith.constant 0 : i32
      %dma_wait3A_138 = arith.constant 0 : i32
      %dma_wait3A_139 = arith.constant 0 : i32
      %dma_wait3A_140 = tpu.memref_slice %arg7[%dma_wait3A_138, %scan3A_136, %dma_wait3A_139] : memref<8x16x128xf32, #tpu.memory_space<vmem>> -> memref<1x1x128xf32, #tpu.memory_space<vmem>>
      %dma_wait3A_141 = tpu.memref_squeeze %dma_wait3A_140 : memref<1x1x128xf32, #tpu.memory_space<vmem>> -> memref<128xf32, #tpu.memory_space<vmem>>
      %dma_wait3A_142 = arith.constant 0 : i32
      %dma_wait3A_143 = tpu.memref_slice %arg6[%dma_wait3A, %scan3A_136, %dma_wait3A_142] : memref<8x16x128xi32, #tpu.memory_space<vmem>> -> memref<1x1x128xi32, #tpu.memory_space<vmem>>
      %dma_wait3A_144 = tpu.memref_squeeze %dma_wait3A_143 : memref<1x1x128xi32, #tpu.memory_space<vmem>> -> memref<128xi32, #tpu.memory_space<vmem>>
      %dma_wait3A_145 = arith.constant 0 : i32
      %dma_wait3A_146 = tpu.memref_slice %arg3[%dma_wait3A_145] : memref<16711680xf32, #tpu.memory_space<hbm>> -> memref<16711680xf32, #tpu.memory_space<hbm>>
      tpu.wait_indirect_dma semaphore(%arg8 : memref<!tpu.dma_semaphore, #tpu.memory_space<semaphore_mem>>) src(%dma_wait3A_146 : memref<16711680xf32, #tpu.memory_space<hbm>>) dst(%dma_wait3A_141 : memref<128xf32, #tpu.memory_space<vmem>>)
      %scan3A_147 = arith.constant 0 : i32
      scf.yield %scan3A_147 : i32
    }
    %scan3A_71 = arith.constant 16 : i32
    %scan3A_72 = arith.constant 0 : i32
    %scan3A_73 = arith.constant 0 : i32
    %scan3A_74 = arith.constant 16 : i32
    %scan3A_75 = arith.addi %scan3A_73, %scan3A_74 : i32
    %scan3A_76 = arith.constant 1 : i32
    %scan3A_77 = scf.for %scan3A_136 = %scan3A_73 to %scan3A_75 step %scan3A_76 iter_args(%scan3A_137 = %scan3A_72) -> (i32)  : i32 {
      %dma_wait3A = arith.constant 1 : i32
      %dma_wait3A_138 = arith.constant 1 : i32
      %dma_wait3A_139 = arith.constant 0 : i32
      %dma_wait3A_140 = tpu.memref_slice %arg7[%dma_wait3A_138, %scan3A_136, %dma_wait3A_139] : memref<8x16x128xf32, #tpu.memory_space<vmem>> -> memref<1x1x128xf32, #tpu.memory_space<vmem>>
      %dma_wait3A_141 = tpu.memref_squeeze %dma_wait3A_140 : memref<1x1x128xf32, #tpu.memory_space<vmem>> -> memref<128xf32, #tpu.memory_space<vmem>>
      %dma_wait3A_142 = arith.constant 0 : i32
      %dma_wait3A_143 = tpu.memref_slice %arg6[%dma_wait3A, %scan3A_136, %dma_wait3A_142] : memref<8x16x128xi32, #tpu.memory_space<vmem>> -> memref<1x1x128xi32, #tpu.memory_space<vmem>>
      %dma_wait3A_144 = tpu.memref_squeeze %dma_wait3A_143 : memref<1x1x128xi32, #tpu.memory_space<vmem>> -> memref<128xi32, #tpu.memory_space<vmem>>
      %dma_wait3A_145 = arith.constant 0 : i32
      %dma_wait3A_146 = tpu.memref_slice %arg3[%dma_wait3A_145] : memref<16711680xf32, #tpu.memory_space<hbm>> -> memref<16711680xf32, #tpu.memory_space<hbm>>
      tpu.wait_indirect_dma semaphore(%arg8 : memref<!tpu.dma_semaphore, #tpu.memory_space<semaphore_mem>>) src(%dma_wait3A_146 : memref<16711680xf32, #tpu.memory_space<hbm>>) dst(%dma_wait3A_141 : memref<128xf32, #tpu.memory_space<vmem>>)
      %scan3A_147 = arith.constant 0 : i32
      scf.yield %scan3A_147 : i32
    }
    %scan3A_78 = arith.constant 16 : i32
    %scan3A_79 = arith.constant 0 : i32
    %scan3A_80 = arith.constant 0 : i32
    %scan3A_81 = arith.constant 16 : i32
    %scan3A_82 = arith.addi %scan3A_80, %scan3A_81 : i32
    %scan3A_83 = arith.constant 1 : i32
    %scan3A_84 = scf.for %scan3A_136 = %scan3A_80 to %scan3A_82 step %scan3A_83 iter_args(%scan3A_137 = %scan3A_79) -> (i32)  : i32 {
      %dma_wait3A = arith.constant 2 : i32
      %dma_wait3A_138 = arith.constant 2 : i32
      %dma_wait3A_139 = arith.constant 0 : i32
      %dma_wait3A_140 = tpu.memref_slice %arg7[%dma_wait3A_138, %scan3A_136, %dma_wait3A_139] : memref<8x16x128xf32, #tpu.memory_space<vmem>> -> memref<1x1x128xf32, #tpu.memory_space<vmem>>
      %dma_wait3A_141 = tpu.memref_squeeze %dma_wait3A_140 : memref<1x1x128xf32, #tpu.memory_space<vmem>> -> memref<128xf32, #tpu.memory_space<vmem>>
      %dma_wait3A_142 = arith.constant 0 : i32
      %dma_wait3A_143 = tpu.memref_slice %arg6[%dma_wait3A, %scan3A_136, %dma_wait3A_142] : memref<8x16x128xi32, #tpu.memory_space<vmem>> -> memref<1x1x128xi32, #tpu.memory_space<vmem>>
      %dma_wait3A_144 = tpu.memref_squeeze %dma_wait3A_143 : memref<1x1x128xi32, #tpu.memory_space<vmem>> -> memref<128xi32, #tpu.memory_space<vmem>>
      %dma_wait3A_145 = arith.constant 0 : i32
      %dma_wait3A_146 = tpu.memref_slice %arg3[%dma_wait3A_145] : memref<16711680xf32, #tpu.memory_space<hbm>> -> memref<16711680xf32, #tpu.memory_space<hbm>>
      tpu.wait_indirect_dma semaphore(%arg8 : memref<!tpu.dma_semaphore, #tpu.memory_space<semaphore_mem>>) src(%dma_wait3A_146 : memref<16711680xf32, #tpu.memory_space<hbm>>) dst(%dma_wait3A_141 : memref<128xf32, #tpu.memory_space<vmem>>)
      %scan3A_147 = arith.constant 0 : i32
      scf.yield %scan3A_147 : i32
    }
    %scan3A_85 = arith.constant 16 : i32
    %scan3A_86 = arith.constant 0 : i32
    %scan3A_87 = arith.constant 0 : i32
    %scan3A_88 = arith.constant 16 : i32
    %scan3A_89 = arith.addi %scan3A_87, %scan3A_88 : i32
    %scan3A_90 = arith.constant 1 : i32
    %scan3A_91 = scf.for %scan3A_136 = %scan3A_87 to %scan3A_89 step %scan3A_90 iter_args(%scan3A_137 = %scan3A_86) -> (i32)  : i32 {
      %dma_wait3A = arith.constant 3 : i32
      %dma_wait3A_138 = arith.constant 3 : i32
      %dma_wait3A_139 = arith.constant 0 : i32
      %dma_wait3A_140 = tpu.memref_slice %arg7[%dma_wait3A_138, %scan3A_136, %dma_wait3A_139] : memref<8x16x128xf32, #tpu.memory_space<vmem>> -> memref<1x1x128xf32, #tpu.memory_space<vmem>>
      %dma_wait3A_141 = tpu.memref_squeeze %dma_wait3A_140 : memref<1x1x128xf32, #tpu.memory_space<vmem>> -> memref<128xf32, #tpu.memory_space<vmem>>
      %dma_wait3A_142 = arith.constant 0 : i32
      %dma_wait3A_143 = tpu.memref_slice %arg6[%dma_wait3A, %scan3A_136, %dma_wait3A_142] : memref<8x16x128xi32, #tpu.memory_space<vmem>> -> memref<1x1x128xi32, #tpu.memory_space<vmem>>
      %dma_wait3A_144 = tpu.memref_squeeze %dma_wait3A_143 : memref<1x1x128xi32, #tpu.memory_space<vmem>> -> memref<128xi32, #tpu.memory_space<vmem>>
      %dma_wait3A_145 = arith.constant 0 : i32
      %dma_wait3A_146 = tpu.memref_slice %arg3[%dma_wait3A_145] : memref<16711680xf32, #tpu.memory_space<hbm>> -> memref<16711680xf32, #tpu.memory_space<hbm>>
      tpu.wait_indirect_dma semaphore(%arg8 : memref<!tpu.dma_semaphore, #tpu.memory_space<semaphore_mem>>) src(%dma_wait3A_146 : memref<16711680xf32, #tpu.memory_space<hbm>>) dst(%dma_wait3A_141 : memref<128xf32, #tpu.memory_space<vmem>>)
      %scan3A_147 = arith.constant 0 : i32
      scf.yield %scan3A_147 : i32
    }
    %scan3A_92 = arith.constant 16 : i32
    %scan3A_93 = arith.constant 0 : i32
    %scan3A_94 = arith.constant 0 : i32
    %scan3A_95 = arith.constant 16 : i32
    %scan3A_96 = arith.addi %scan3A_94, %scan3A_95 : i32
    %scan3A_97 = arith.constant 1 : i32
    %scan3A_98 = scf.for %scan3A_136 = %scan3A_94 to %scan3A_96 step %scan3A_97 iter_args(%scan3A_137 = %scan3A_93) -> (i32)  : i32 {
      %dma_wait3A = arith.constant 4 : i32
      %dma_wait3A_138 = arith.constant 4 : i32
      %dma_wait3A_139 = arith.constant 0 : i32
      %dma_wait3A_140 = tpu.memref_slice %arg7[%dma_wait3A_138, %scan3A_136, %dma_wait3A_139] : memref<8x16x128xf32, #tpu.memory_space<vmem>> -> memref<1x1x128xf32, #tpu.memory_space<vmem>>
      %dma_wait3A_141 = tpu.memref_squeeze %dma_wait3A_140 : memref<1x1x128xf32, #tpu.memory_space<vmem>> -> memref<128xf32, #tpu.memory_space<vmem>>
      %dma_wait3A_142 = arith.constant 0 : i32
      %dma_wait3A_143 = tpu.memref_slice %arg6[%dma_wait3A, %scan3A_136, %dma_wait3A_142] : memref<8x16x128xi32, #tpu.memory_space<vmem>> -> memref<1x1x128xi32, #tpu.memory_space<vmem>>
      %dma_wait3A_144 = tpu.memref_squeeze %dma_wait3A_143 : memref<1x1x128xi32, #tpu.memory_space<vmem>> -> memref<128xi32, #tpu.memory_space<vmem>>
      %dma_wait3A_145 = arith.constant 0 : i32
      %dma_wait3A_146 = tpu.memref_slice %arg3[%dma_wait3A_145] : memref<16711680xf32, #tpu.memory_space<hbm>> -> memref<16711680xf32, #tpu.memory_space<hbm>>
      tpu.wait_indirect_dma semaphore(%arg8 : memref<!tpu.dma_semaphore, #tpu.memory_space<semaphore_mem>>) src(%dma_wait3A_146 : memref<16711680xf32, #tpu.memory_space<hbm>>) dst(%dma_wait3A_141 : memref<128xf32, #tpu.memory_space<vmem>>)
      %scan3A_147 = arith.constant 0 : i32
      scf.yield %scan3A_147 : i32
    }
    %scan3A_99 = arith.constant 16 : i32
    %scan3A_100 = arith.constant 0 : i32
    %scan3A_101 = arith.constant 0 : i32
    %scan3A_102 = arith.constant 16 : i32
    %scan3A_103 = arith.addi %scan3A_101, %scan3A_102 : i32
    %scan3A_104 = arith.constant 1 : i32
    %scan3A_105 = scf.for %scan3A_136 = %scan3A_101 to %scan3A_103 step %scan3A_104 iter_args(%scan3A_137 = %scan3A_100) -> (i32)  : i32 {
      %dma_wait3A = arith.constant 5 : i32
      %dma_wait3A_138 = arith.constant 5 : i32
      %dma_wait3A_139 = arith.constant 0 : i32
      %dma_wait3A_140 = tpu.memref_slice %arg7[%dma_wait3A_138, %scan3A_136, %dma_wait3A_139] : memref<8x16x128xf32, #tpu.memory_space<vmem>> -> memref<1x1x128xf32, #tpu.memory_space<vmem>>
      %dma_wait3A_141 = tpu.memref_squeeze %dma_wait3A_140 : memref<1x1x128xf32, #tpu.memory_space<vmem>> -> memref<128xf32, #tpu.memory_space<vmem>>
      %dma_wait3A_142 = arith.constant 0 : i32
      %dma_wait3A_143 = tpu.memref_slice %arg6[%dma_wait3A, %scan3A_136, %dma_wait3A_142] : memref<8x16x128xi32, #tpu.memory_space<vmem>> -> memref<1x1x128xi32, #tpu.memory_space<vmem>>
      %dma_wait3A_144 = tpu.memref_squeeze %dma_wait3A_143 : memref<1x1x128xi32, #tpu.memory_space<vmem>> -> memref<128xi32, #tpu.memory_space<vmem>>
      %dma_wait3A_145 = arith.constant 0 : i32
      %dma_wait3A_146 = tpu.memref_slice %arg3[%dma_wait3A_145] : memref<16711680xf32, #tpu.memory_space<hbm>> -> memref<16711680xf32, #tpu.memory_space<hbm>>
      tpu.wait_indirect_dma semaphore(%arg8 : memref<!tpu.dma_semaphore, #tpu.memory_space<semaphore_mem>>) src(%dma_wait3A_146 : memref<16711680xf32, #tpu.memory_space<hbm>>) dst(%dma_wait3A_141 : memref<128xf32, #tpu.memory_space<vmem>>)
      %scan3A_147 = arith.constant 0 : i32
      scf.yield %scan3A_147 : i32
    }
    %scan3A_106 = arith.constant 16 : i32
    %scan3A_107 = arith.constant 0 : i32
    %scan3A_108 = arith.constant 0 : i32
    %scan3A_109 = arith.constant 16 : i32
    %scan3A_110 = arith.addi %scan3A_108, %scan3A_109 : i32
    %scan3A_111 = arith.constant 1 : i32
    %scan3A_112 = scf.for %scan3A_136 = %scan3A_108 to %scan3A_110 step %scan3A_111 iter_args(%scan3A_137 = %scan3A_107) -> (i32)  : i32 {
      %dma_wait3A = arith.constant 6 : i32
      %dma_wait3A_138 = arith.constant 6 : i32
      %dma_wait3A_139 = arith.constant 0 : i32
      %dma_wait3A_140 = tpu.memref_slice %arg7[%dma_wait3A_138, %scan3A_136, %dma_wait3A_139] : memref<8x16x128xf32, #tpu.memory_space<vmem>> -> memref<1x1x128xf32, #tpu.memory_space<vmem>>
      %dma_wait3A_141 = tpu.memref_squeeze %dma_wait3A_140 : memref<1x1x128xf32, #tpu.memory_space<vmem>> -> memref<128xf32, #tpu.memory_space<vmem>>
      %dma_wait3A_142 = arith.constant 0 : i32
      %dma_wait3A_143 = tpu.memref_slice %arg6[%dma_wait3A, %scan3A_136, %dma_wait3A_142] : memref<8x16x128xi32, #tpu.memory_space<vmem>> -> memref<1x1x128xi32, #tpu.memory_space<vmem>>
      %dma_wait3A_144 = tpu.memref_squeeze %dma_wait3A_143 : memref<1x1x128xi32, #tpu.memory_space<vmem>> -> memref<128xi32, #tpu.memory_space<vmem>>
      %dma_wait3A_145 = arith.constant 0 : i32
      %dma_wait3A_146 = tpu.memref_slice %arg3[%dma_wait3A_145] : memref<16711680xf32, #tpu.memory_space<hbm>> -> memref<16711680xf32, #tpu.memory_space<hbm>>
      tpu.wait_indirect_dma semaphore(%arg8 : memref<!tpu.dma_semaphore, #tpu.memory_space<semaphore_mem>>) src(%dma_wait3A_146 : memref<16711680xf32, #tpu.memory_space<hbm>>) dst(%dma_wait3A_141 : memref<128xf32, #tpu.memory_space<vmem>>)
      %scan3A_147 = arith.constant 0 : i32
      scf.yield %scan3A_147 : i32
    }
    %scan3A_113 = arith.constant 16 : i32
    %scan3A_114 = arith.constant 0 : i32
    %scan3A_115 = arith.constant 0 : i32
    %scan3A_116 = arith.constant 16 : i32
    %scan3A_117 = arith.addi %scan3A_115, %scan3A_116 : i32
    %scan3A_118 = arith.constant 1 : i32
    %scan3A_119 = scf.for %scan3A_136 = %scan3A_115 to %scan3A_117 step %scan3A_118 iter_args(%scan3A_137 = %scan3A_114) -> (i32)  : i32 {
      %dma_wait3A = arith.constant 7 : i32
      %dma_wait3A_138 = arith.constant 7 : i32
      %dma_wait3A_139 = arith.constant 0 : i32
      %dma_wait3A_140 = tpu.memref_slice %arg7[%dma_wait3A_138, %scan3A_136, %dma_wait3A_139] : memref<8x16x128xf32, #tpu.memory_space<vmem>> -> memref<1x1x128xf32, #tpu.memory_space<vmem>>
      %dma_wait3A_141 = tpu.memref_squeeze %dma_wait3A_140 : memref<1x1x128xf32, #tpu.memory_space<vmem>> -> memref<128xf32, #tpu.memory_space<vmem>>
      %dma_wait3A_142 = arith.constant 0 : i32
      %dma_wait3A_143 = tpu.memref_slice %arg6[%dma_wait3A, %scan3A_136, %dma_wait3A_142] : memref<8x16x128xi32, #tpu.memory_space<vmem>> -> memref<1x1x128xi32, #tpu.memory_space<vmem>>
      %dma_wait3A_144 = tpu.memref_squeeze %dma_wait3A_143 : memref<1x1x128xi32, #tpu.memory_space<vmem>> -> memref<128xi32, #tpu.memory_space<vmem>>
      %dma_wait3A_145 = arith.constant 0 : i32
      %dma_wait3A_146 = tpu.memref_slice %arg3[%dma_wait3A_145] : memref<16711680xf32, #tpu.memory_space<hbm>> -> memref<16711680xf32, #tpu.memory_space<hbm>>
      tpu.wait_indirect_dma semaphore(%arg8 : memref<!tpu.dma_semaphore, #tpu.memory_space<semaphore_mem>>) src(%dma_wait3A_146 : memref<16711680xf32, #tpu.memory_space<hbm>>) dst(%dma_wait3A_141 : memref<128xf32, #tpu.memory_space<vmem>>)
      %scan3A_147 = arith.constant 0 : i32
      scf.yield %scan3A_147 : i32
    }
    %scan3A_120 = arith.constant 16 : i32
    %run_scoped3A = arith.constant 0 : i32
    %run_scoped3A_121 = arith.constant 0 : i32
    "tpu.region"() ({
      %run_scoped3A_136 = tpu.sem_alloc : memref<!tpu.dma_semaphore, #tpu.memory_space<semaphore_mem>>
      %dma_start3A = arith.constant 0 : i32
      %dma_start3A_137 = arith.constant 0 : i32
      %dma_start3A_138 = tpu.memref_slice %arg7[%run_scoped3A, %dma_start3A, %dma_start3A_137] : memref<8x16x128xf32, #tpu.memory_space<vmem>> -> memref<1x16x128xf32, #tpu.memory_space<vmem>>
      %dma_start3A_139 = tpu.memref_squeeze %dma_start3A_138 : memref<1x16x128xf32, #tpu.memory_space<vmem>> -> memref<16x128xf32, #tpu.memory_space<vmem>>
      %dma_start3A_140 = arith.constant 0 : i32
      %dma_start3A_141 = arith.constant 0 : i32
      %dma_start3A_142 = tpu.memref_slice %arg4[%run_scoped3A_121, %add3A, %dma_start3A_140, %dma_start3A_141] : memref<8x32x16x128xf32, #tpu.memory_space<hbm>> -> memref<1x1x16x128xf32, #tpu.memory_space<hbm>>
      %dma_start3A_143 = tpu.memref_squeeze %dma_start3A_142 : memref<1x1x16x128xf32, #tpu.memory_space<hbm>> -> memref<16x128xf32, #tpu.memory_space<hbm>>
      %dma_start3A_144 = arith.constant 0 : i32
      %dma_start3A_145 = arith.constant 0 : i32
      %dma_start3A_146 = tpu.memref_slice %arg4[%run_scoped3A_121, %add3A, %dma_start3A_144, %dma_start3A_145] : memref<8x32x16x128xf32, #tpu.memory_space<hbm>> -> memref<1x1x16x128xf32, #tpu.memory_space<hbm>>
      %dma_start3A_147 = tpu.memref_squeeze %dma_start3A_146 : memref<1x1x16x128xf32, #tpu.memory_space<hbm>> -> memref<16x128xf32, #tpu.memory_space<hbm>>
      %dma_start3A_148 = arith.constant 0 : i32
      %dma_start3A_149 = arith.constant 0 : i32
      %dma_start3A_150 = tpu.memref_slice %arg7[%run_scoped3A, %dma_start3A_148, %dma_start3A_149] : memref<8x16x128xf32, #tpu.memory_space<vmem>> -> memref<1x16x128xf32, #tpu.memory_space<vmem>>
      %dma_start3A_151 = tpu.memref_squeeze %dma_start3A_150 : memref<1x16x128xf32, #tpu.memory_space<vmem>> -> memref<16x128xf32, #tpu.memory_space<vmem>>
      tpu.enqueue_dma source(%dma_start3A_151 : memref<16x128xf32, #tpu.memory_space<vmem>>) target(%dma_start3A_147 : memref<16x128xf32, #tpu.memory_space<hbm>>) target_semaphore(%run_scoped3A_136 : memref<!tpu.dma_semaphore, #tpu.memory_space<semaphore_mem>>)
      %dma_wait3A = arith.constant 0 : i32
      %dma_wait3A_152 = arith.constant 0 : i32
      %dma_wait3A_153 = tpu.memref_slice %arg7[%run_scoped3A, %dma_wait3A, %dma_wait3A_152] : memref<8x16x128xf32, #tpu.memory_space<vmem>> -> memref<1x16x128xf32, #tpu.memory_space<vmem>>
      %dma_wait3A_154 = tpu.memref_squeeze %dma_wait3A_153 : memref<1x16x128xf32, #tpu.memory_space<vmem>> -> memref<16x128xf32, #tpu.memory_space<vmem>>
      %dma_wait3A_155 = arith.constant 0 : i32
      %dma_wait3A_156 = arith.constant 0 : i32
      %dma_wait3A_157 = tpu.memref_slice %arg4[%run_scoped3A_121, %add3A, %dma_wait3A_155, %dma_wait3A_156] : memref<8x32x16x128xf32, #tpu.memory_space<hbm>> -> memref<1x1x16x128xf32, #tpu.memory_space<hbm>>
      %dma_wait3A_158 = tpu.memref_squeeze %dma_wait3A_157 : memref<1x1x16x128xf32, #tpu.memory_space<hbm>> -> memref<16x128xf32, #tpu.memory_space<hbm>>
      %dma_wait3A_159 = arith.constant 0 : i32
      %dma_wait3A_160 = arith.constant 0 : i32
      %dma_wait3A_161 = tpu.memref_slice %arg4[%run_scoped3A_121, %add3A, %dma_wait3A_159, %dma_wait3A_160] : memref<8x32x16x128xf32, #tpu.memory_space<hbm>> -> memref<1x1x16x128xf32, #tpu.memory_space<hbm>>
      %dma_wait3A_162 = tpu.memref_squeeze %dma_wait3A_161 : memref<1x1x16x128xf32, #tpu.memory_space<hbm>> -> memref<16x128xf32, #tpu.memory_space<hbm>>
      %dma_wait3A_163 = arith.constant 0 : i32
      %dma_wait3A_164 = arith.constant 0 : i32
      %dma_wait3A_165 = tpu.memref_slice %arg7[%run_scoped3A, %dma_wait3A_163, %dma_wait3A_164] : memref<8x16x128xf32, #tpu.memory_space<vmem>> -> memref<1x16x128xf32, #tpu.memory_space<vmem>>
      %dma_wait3A_166 = tpu.memref_squeeze %dma_wait3A_165 : memref<1x16x128xf32, #tpu.memory_space<vmem>> -> memref<16x128xf32, #tpu.memory_space<vmem>>
      tpu.wait_dma2 semaphore(%run_scoped3A_136 : memref<!tpu.dma_semaphore, #tpu.memory_space<semaphore_mem>>) src(%dma_wait3A_166 : memref<16x128xf32, #tpu.memory_space<vmem>>) dst(%dma_wait3A_162 : memref<16x128xf32, #tpu.memory_space<hbm>>)
      tpu.yield
    }) : () -> ()
    %run_scoped3A_122 = arith.constant 1 : i32
    %run_scoped3A_123 = arith.constant 1 : i32
    "tpu.region"() ({
      %run_scoped3A_136 = tpu.sem_alloc : memref<!tpu.dma_semaphore, #tpu.memory_space<semaphore_mem>>
      %dma_start3A = arith.constant 0 : i32
      %dma_start3A_137 = arith.constant 0 : i32
      %dma_start3A_138 = tpu.memref_slice %arg7[%run_scoped3A_122, %dma_start3A, %dma_start3A_137] : memref<8x16x128xf32, #tpu.memory_space<vmem>> -> memref<1x16x128xf32, #tpu.memory_space<vmem>>
      %dma_start3A_139 = tpu.memref_squeeze %dma_start3A_138 : memref<1x16x128xf32, #tpu.memory_space<vmem>> -> memref<16x128xf32, #tpu.memory_space<vmem>>
      %dma_start3A_140 = arith.constant 0 : i32
      %dma_start3A_141 = arith.constant 0 : i32
      %dma_start3A_142 = tpu.memref_slice %arg4[%run_scoped3A_123, %add3A, %dma_start3A_140, %dma_start3A_141] : memref<8x32x16x128xf32, #tpu.memory_space<hbm>> -> memref<1x1x16x128xf32, #tpu.memory_space<hbm>>
      %dma_start3A_143 = tpu.memref_squeeze %dma_start3A_142 : memref<1x1x16x128xf32, #tpu.memory_space<hbm>> -> memref<16x128xf32, #tpu.memory_space<hbm>>
      %dma_start3A_144 = arith.constant 0 : i32
      %dma_start3A_145 = arith.constant 0 : i32
      %dma_start3A_146 = tpu.memref_slice %arg4[%run_scoped3A_123, %add3A, %dma_start3A_144, %dma_start3A_145] : memref<8x32x16x128xf32, #tpu.memory_space<hbm>> -> memref<1x1x16x128xf32, #tpu.memory_space<hbm>>
      %dma_start3A_147 = tpu.memref_squeeze %dma_start3A_146 : memref<1x1x16x128xf32, #tpu.memory_space<hbm>> -> memref<16x128xf32, #tpu.memory_space<hbm>>
      %dma_start3A_148 = arith.constant 0 : i32
      %dma_start3A_149 = arith.constant 0 : i32
      %dma_start3A_150 = tpu.memref_slice %arg7[%run_scoped3A_122, %dma_start3A_148, %dma_start3A_149] : memref<8x16x128xf32, #tpu.memory_space<vmem>> -> memref<1x16x128xf32, #tpu.memory_space<vmem>>
      %dma_start3A_151 = tpu.memref_squeeze %dma_start3A_150 : memref<1x16x128xf32, #tpu.memory_space<vmem>> -> memref<16x128xf32, #tpu.memory_space<vmem>>
      tpu.enqueue_dma source(%dma_start3A_151 : memref<16x128xf32, #tpu.memory_space<vmem>>) target(%dma_start3A_147 : memref<16x128xf32, #tpu.memory_space<hbm>>) target_semaphore(%run_scoped3A_136 : memref<!tpu.dma_semaphore, #tpu.memory_space<semaphore_mem>>)
      %dma_wait3A = arith.constant 0 : i32
      %dma_wait3A_152 = arith.constant 0 : i32
      %dma_wait3A_153 = tpu.memref_slice %arg7[%run_scoped3A_122, %dma_wait3A, %dma_wait3A_152] : memref<8x16x128xf32, #tpu.memory_space<vmem>> -> memref<1x16x128xf32, #tpu.memory_space<vmem>>
      %dma_wait3A_154 = tpu.memref_squeeze %dma_wait3A_153 : memref<1x16x128xf32, #tpu.memory_space<vmem>> -> memref<16x128xf32, #tpu.memory_space<vmem>>
      %dma_wait3A_155 = arith.constant 0 : i32
      %dma_wait3A_156 = arith.constant 0 : i32
      %dma_wait3A_157 = tpu.memref_slice %arg4[%run_scoped3A_123, %add3A, %dma_wait3A_155, %dma_wait3A_156] : memref<8x32x16x128xf32, #tpu.memory_space<hbm>> -> memref<1x1x16x128xf32, #tpu.memory_space<hbm>>
      %dma_wait3A_158 = tpu.memref_squeeze %dma_wait3A_157 : memref<1x1x16x128xf32, #tpu.memory_space<hbm>> -> memref<16x128xf32, #tpu.memory_space<hbm>>
      %dma_wait3A_159 = arith.constant 0 : i32
      %dma_wait3A_160 = arith.constant 0 : i32
      %dma_wait3A_161 = tpu.memref_slice %arg4[%run_scoped3A_123, %add3A, %dma_wait3A_159, %dma_wait3A_160] : memref<8x32x16x128xf32, #tpu.memory_space<hbm>> -> memref<1x1x16x128xf32, #tpu.memory_space<hbm>>
      %dma_wait3A_162 = tpu.memref_squeeze %dma_wait3A_161 : memref<1x1x16x128xf32, #tpu.memory_space<hbm>> -> memref<16x128xf32, #tpu.memory_space<hbm>>
      %dma_wait3A_163 = arith.constant 0 : i32
      %dma_wait3A_164 = arith.constant 0 : i32
      %dma_wait3A_165 = tpu.memref_slice %arg7[%run_scoped3A_122, %dma_wait3A_163, %dma_wait3A_164] : memref<8x16x128xf32, #tpu.memory_space<vmem>> -> memref<1x16x128xf32, #tpu.memory_space<vmem>>
      %dma_wait3A_166 = tpu.memref_squeeze %dma_wait3A_165 : memref<1x16x128xf32, #tpu.memory_space<vmem>> -> memref<16x128xf32, #tpu.memory_space<vmem>>
      tpu.wait_dma2 semaphore(%run_scoped3A_136 : memref<!tpu.dma_semaphore, #tpu.memory_space<semaphore_mem>>) src(%dma_wait3A_166 : memref<16x128xf32, #tpu.memory_space<vmem>>) dst(%dma_wait3A_162 : memref<16x128xf32, #tpu.memory_space<hbm>>)
      tpu.yield
    }) : () -> ()
    %run_scoped3A_124 = arith.constant 2 : i32
    %run_scoped3A_125 = arith.constant 2 : i32
    "tpu.region"() ({
      %run_scoped3A_136 = tpu.sem_alloc : memref<!tpu.dma_semaphore, #tpu.memory_space<semaphore_mem>>
      %dma_start3A = arith.constant 0 : i32
      %dma_start3A_137 = arith.constant 0 : i32
      %dma_start3A_138 = tpu.memref_slice %arg7[%run_scoped3A_124, %dma_start3A, %dma_start3A_137] : memref<8x16x128xf32, #tpu.memory_space<vmem>> -> memref<1x16x128xf32, #tpu.memory_space<vmem>>
      %dma_start3A_139 = tpu.memref_squeeze %dma_start3A_138 : memref<1x16x128xf32, #tpu.memory_space<vmem>> -> memref<16x128xf32, #tpu.memory_space<vmem>>
      %dma_start3A_140 = arith.constant 0 : i32
      %dma_start3A_141 = arith.constant 0 : i32
      %dma_start3A_142 = tpu.memref_slice %arg4[%run_scoped3A_125, %add3A, %dma_start3A_140, %dma_start3A_141] : memref<8x32x16x128xf32, #tpu.memory_space<hbm>> -> memref<1x1x16x128xf32, #tpu.memory_space<hbm>>
      %dma_start3A_143 = tpu.memref_squeeze %dma_start3A_142 : memref<1x1x16x128xf32, #tpu.memory_space<hbm>> -> memref<16x128xf32, #tpu.memory_space<hbm>>
      %dma_start3A_144 = arith.constant 0 : i32
      %dma_start3A_145 = arith.constant 0 : i32
      %dma_start3A_146 = tpu.memref_slice %arg4[%run_scoped3A_125, %add3A, %dma_start3A_144, %dma_start3A_145] : memref<8x32x16x128xf32, #tpu.memory_space<hbm>> -> memref<1x1x16x128xf32, #tpu.memory_space<hbm>>
      %dma_start3A_147 = tpu.memref_squeeze %dma_start3A_146 : memref<1x1x16x128xf32, #tpu.memory_space<hbm>> -> memref<16x128xf32, #tpu.memory_space<hbm>>
      %dma_start3A_148 = arith.constant 0 : i32
      %dma_start3A_149 = arith.constant 0 : i32
      %dma_start3A_150 = tpu.memref_slice %arg7[%run_scoped3A_124, %dma_start3A_148, %dma_start3A_149] : memref<8x16x128xf32, #tpu.memory_space<vmem>> -> memref<1x16x128xf32, #tpu.memory_space<vmem>>
      %dma_start3A_151 = tpu.memref_squeeze %dma_start3A_150 : memref<1x16x128xf32, #tpu.memory_space<vmem>> -> memref<16x128xf32, #tpu.memory_space<vmem>>
      tpu.enqueue_dma source(%dma_start3A_151 : memref<16x128xf32, #tpu.memory_space<vmem>>) target(%dma_start3A_147 : memref<16x128xf32, #tpu.memory_space<hbm>>) target_semaphore(%run_scoped3A_136 : memref<!tpu.dma_semaphore, #tpu.memory_space<semaphore_mem>>)
      %dma_wait3A = arith.constant 0 : i32
      %dma_wait3A_152 = arith.constant 0 : i32
      %dma_wait3A_153 = tpu.memref_slice %arg7[%run_scoped3A_124, %dma_wait3A, %dma_wait3A_152] : memref<8x16x128xf32, #tpu.memory_space<vmem>> -> memref<1x16x128xf32, #tpu.memory_space<vmem>>
      %dma_wait3A_154 = tpu.memref_squeeze %dma_wait3A_153 : memref<1x16x128xf32, #tpu.memory_space<vmem>> -> memref<16x128xf32, #tpu.memory_space<vmem>>
      %dma_wait3A_155 = arith.constant 0 : i32
      %dma_wait3A_156 = arith.constant 0 : i32
      %dma_wait3A_157 = tpu.memref_slice %arg4[%run_scoped3A_125, %add3A, %dma_wait3A_155, %dma_wait3A_156] : memref<8x32x16x128xf32, #tpu.memory_space<hbm>> -> memref<1x1x16x128xf32, #tpu.memory_space<hbm>>
      %dma_wait3A_158 = tpu.memref_squeeze %dma_wait3A_157 : memref<1x1x16x128xf32, #tpu.memory_space<hbm>> -> memref<16x128xf32, #tpu.memory_space<hbm>>
      %dma_wait3A_159 = arith.constant 0 : i32
      %dma_wait3A_160 = arith.constant 0 : i32
      %dma_wait3A_161 = tpu.memref_slice %arg4[%run_scoped3A_125, %add3A, %dma_wait3A_159, %dma_wait3A_160] : memref<8x32x16x128xf32, #tpu.memory_space<hbm>> -> memref<1x1x16x128xf32, #tpu.memory_space<hbm>>
      %dma_wait3A_162 = tpu.memref_squeeze %dma_wait3A_161 : memref<1x1x16x128xf32, #tpu.memory_space<hbm>> -> memref<16x128xf32, #tpu.memory_space<hbm>>
      %dma_wait3A_163 = arith.constant 0 : i32
      %dma_wait3A_164 = arith.constant 0 : i32
      %dma_wait3A_165 = tpu.memref_slice %arg7[%run_scoped3A_124, %dma_wait3A_163, %dma_wait3A_164] : memref<8x16x128xf32, #tpu.memory_space<vmem>> -> memref<1x16x128xf32, #tpu.memory_space<vmem>>
      %dma_wait3A_166 = tpu.memref_squeeze %dma_wait3A_165 : memref<1x16x128xf32, #tpu.memory_space<vmem>> -> memref<16x128xf32, #tpu.memory_space<vmem>>
      tpu.wait_dma2 semaphore(%run_scoped3A_136 : memref<!tpu.dma_semaphore, #tpu.memory_space<semaphore_mem>>) src(%dma_wait3A_166 : memref<16x128xf32, #tpu.memory_space<vmem>>) dst(%dma_wait3A_162 : memref<16x128xf32, #tpu.memory_space<hbm>>)
      tpu.yield
    }) : () -> ()
    %run_scoped3A_126 = arith.constant 3 : i32
    %run_scoped3A_127 = arith.constant 3 : i32
    "tpu.region"() ({
      %run_scoped3A_136 = tpu.sem_alloc : memref<!tpu.dma_semaphore, #tpu.memory_space<semaphore_mem>>
      %dma_start3A = arith.constant 0 : i32
      %dma_start3A_137 = arith.constant 0 : i32
      %dma_start3A_138 = tpu.memref_slice %arg7[%run_scoped3A_126, %dma_start3A, %dma_start3A_137] : memref<8x16x128xf32, #tpu.memory_space<vmem>> -> memref<1x16x128xf32, #tpu.memory_space<vmem>>
      %dma_start3A_139 = tpu.memref_squeeze %dma_start3A_138 : memref<1x16x128xf32, #tpu.memory_space<vmem>> -> memref<16x128xf32, #tpu.memory_space<vmem>>
      %dma_start3A_140 = arith.constant 0 : i32
      %dma_start3A_141 = arith.constant 0 : i32
      %dma_start3A_142 = tpu.memref_slice %arg4[%run_scoped3A_127, %add3A, %dma_start3A_140, %dma_start3A_141] : memref<8x32x16x128xf32, #tpu.memory_space<hbm>> -> memref<1x1x16x128xf32, #tpu.memory_space<hbm>>
      %dma_start3A_143 = tpu.memref_squeeze %dma_start3A_142 : memref<1x1x16x128xf32, #tpu.memory_space<hbm>> -> memref<16x128xf32, #tpu.memory_space<hbm>>
      %dma_start3A_144 = arith.constant 0 : i32
      %dma_start3A_145 = arith.constant 0 : i32
      %dma_start3A_146 = tpu.memref_slice %arg4[%run_scoped3A_127, %add3A, %dma_start3A_144, %dma_start3A_145] : memref<8x32x16x128xf32, #tpu.memory_space<hbm>> -> memref<1x1x16x128xf32, #tpu.memory_space<hbm>>
      %dma_start3A_147 = tpu.memref_squeeze %dma_start3A_146 : memref<1x1x16x128xf32, #tpu.memory_space<hbm>> -> memref<16x128xf32, #tpu.memory_space<hbm>>
      %dma_start3A_148 = arith.constant 0 : i32
      %dma_start3A_149 = arith.constant 0 : i32
      %dma_start3A_150 = tpu.memref_slice %arg7[%run_scoped3A_126, %dma_start3A_148, %dma_start3A_149] : memref<8x16x128xf32, #tpu.memory_space<vmem>> -> memref<1x16x128xf32, #tpu.memory_space<vmem>>
      %dma_start3A_151 = tpu.memref_squeeze %dma_start3A_150 : memref<1x16x128xf32, #tpu.memory_space<vmem>> -> memref<16x128xf32, #tpu.memory_space<vmem>>
      tpu.enqueue_dma source(%dma_start3A_151 : memref<16x128xf32, #tpu.memory_space<vmem>>) target(%dma_start3A_147 : memref<16x128xf32, #tpu.memory_space<hbm>>) target_semaphore(%run_scoped3A_136 : memref<!tpu.dma_semaphore, #tpu.memory_space<semaphore_mem>>)
      %dma_wait3A = arith.constant 0 : i32
      %dma_wait3A_152 = arith.constant 0 : i32
      %dma_wait3A_153 = tpu.memref_slice %arg7[%run_scoped3A_126, %dma_wait3A, %dma_wait3A_152] : memref<8x16x128xf32, #tpu.memory_space<vmem>> -> memref<1x16x128xf32, #tpu.memory_space<vmem>>
      %dma_wait3A_154 = tpu.memref_squeeze %dma_wait3A_153 : memref<1x16x128xf32, #tpu.memory_space<vmem>> -> memref<16x128xf32, #tpu.memory_space<vmem>>
      %dma_wait3A_155 = arith.constant 0 : i32
      %dma_wait3A_156 = arith.constant 0 : i32
      %dma_wait3A_157 = tpu.memref_slice %arg4[%run_scoped3A_127, %add3A, %dma_wait3A_155, %dma_wait3A_156] : memref<8x32x16x128xf32, #tpu.memory_space<hbm>> -> memref<1x1x16x128xf32, #tpu.memory_space<hbm>>
      %dma_wait3A_158 = tpu.memref_squeeze %dma_wait3A_157 : memref<1x1x16x128xf32, #tpu.memory_space<hbm>> -> memref<16x128xf32, #tpu.memory_space<hbm>>
      %dma_wait3A_159 = arith.constant 0 : i32
      %dma_wait3A_160 = arith.constant 0 : i32
      %dma_wait3A_161 = tpu.memref_slice %arg4[%run_scoped3A_127, %add3A, %dma_wait3A_159, %dma_wait3A_160] : memref<8x32x16x128xf32, #tpu.memory_space<hbm>> -> memref<1x1x16x128xf32, #tpu.memory_space<hbm>>
      %dma_wait3A_162 = tpu.memref_squeeze %dma_wait3A_161 : memref<1x1x16x128xf32, #tpu.memory_space<hbm>> -> memref<16x128xf32, #tpu.memory_space<hbm>>
      %dma_wait3A_163 = arith.constant 0 : i32
      %dma_wait3A_164 = arith.constant 0 : i32
      %dma_wait3A_165 = tpu.memref_slice %arg7[%run_scoped3A_126, %dma_wait3A_163, %dma_wait3A_164] : memref<8x16x128xf32, #tpu.memory_space<vmem>> -> memref<1x16x128xf32, #tpu.memory_space<vmem>>
      %dma_wait3A_166 = tpu.memref_squeeze %dma_wait3A_165 : memref<1x16x128xf32, #tpu.memory_space<vmem>> -> memref<16x128xf32, #tpu.memory_space<vmem>>
      tpu.wait_dma2 semaphore(%run_scoped3A_136 : memref<!tpu.dma_semaphore, #tpu.memory_space<semaphore_mem>>) src(%dma_wait3A_166 : memref<16x128xf32, #tpu.memory_space<vmem>>) dst(%dma_wait3A_162 : memref<16x128xf32, #tpu.memory_space<hbm>>)
      tpu.yield
    }) : () -> ()
    %run_scoped3A_128 = arith.constant 4 : i32
    %run_scoped3A_129 = arith.constant 4 : i32
    "tpu.region"() ({
      %run_scoped3A_136 = tpu.sem_alloc : memref<!tpu.dma_semaphore, #tpu.memory_space<semaphore_mem>>
      %dma_start3A = arith.constant 0 : i32
      %dma_start3A_137 = arith.constant 0 : i32
      %dma_start3A_138 = tpu.memref_slice %arg7[%run_scoped3A_128, %dma_start3A, %dma_start3A_137] : memref<8x16x128xf32, #tpu.memory_space<vmem>> -> memref<1x16x128xf32, #tpu.memory_space<vmem>>
      %dma_start3A_139 = tpu.memref_squeeze %dma_start3A_138 : memref<1x16x128xf32, #tpu.memory_space<vmem>> -> memref<16x128xf32, #tpu.memory_space<vmem>>
      %dma_start3A_140 = arith.constant 0 : i32
      %dma_start3A_141 = arith.constant 0 : i32
      %dma_start3A_142 = tpu.memref_slice %arg4[%run_scoped3A_129, %add3A, %dma_start3A_140, %dma_start3A_141] : memref<8x32x16x128xf32, #tpu.memory_space<hbm>> -> memref<1x1x16x128xf32, #tpu.memory_space<hbm>>
      %dma_start3A_143 = tpu.memref_squeeze %dma_start3A_142 : memref<1x1x16x128xf32, #tpu.memory_space<hbm>> -> memref<16x128xf32, #tpu.memory_space<hbm>>
      %dma_start3A_144 = arith.constant 0 : i32
      %dma_start3A_145 = arith.constant 0 : i32
      %dma_start3A_146 = tpu.memref_slice %arg4[%run_scoped3A_129, %add3A, %dma_start3A_144, %dma_start3A_145] : memref<8x32x16x128xf32, #tpu.memory_space<hbm>> -> memref<1x1x16x128xf32, #tpu.memory_space<hbm>>
      %dma_start3A_147 = tpu.memref_squeeze %dma_start3A_146 : memref<1x1x16x128xf32, #tpu.memory_space<hbm>> -> memref<16x128xf32, #tpu.memory_space<hbm>>
      %dma_start3A_148 = arith.constant 0 : i32
      %dma_start3A_149 = arith.constant 0 : i32
      %dma_start3A_150 = tpu.memref_slice %arg7[%run_scoped3A_128, %dma_start3A_148, %dma_start3A_149] : memref<8x16x128xf32, #tpu.memory_space<vmem>> -> memref<1x16x128xf32, #tpu.memory_space<vmem>>
      %dma_start3A_151 = tpu.memref_squeeze %dma_start3A_150 : memref<1x16x128xf32, #tpu.memory_space<vmem>> -> memref<16x128xf32, #tpu.memory_space<vmem>>
      tpu.enqueue_dma source(%dma_start3A_151 : memref<16x128xf32, #tpu.memory_space<vmem>>) target(%dma_start3A_147 : memref<16x128xf32, #tpu.memory_space<hbm>>) target_semaphore(%run_scoped3A_136 : memref<!tpu.dma_semaphore, #tpu.memory_space<semaphore_mem>>)
      %dma_wait3A = arith.constant 0 : i32
      %dma_wait3A_152 = arith.constant 0 : i32
      %dma_wait3A_153 = tpu.memref_slice %arg7[%run_scoped3A_128, %dma_wait3A, %dma_wait3A_152] : memref<8x16x128xf32, #tpu.memory_space<vmem>> -> memref<1x16x128xf32, #tpu.memory_space<vmem>>
      %dma_wait3A_154 = tpu.memref_squeeze %dma_wait3A_153 : memref<1x16x128xf32, #tpu.memory_space<vmem>> -> memref<16x128xf32, #tpu.memory_space<vmem>>
      %dma_wait3A_155 = arith.constant 0 : i32
      %dma_wait3A_156 = arith.constant 0 : i32
      %dma_wait3A_157 = tpu.memref_slice %arg4[%run_scoped3A_129, %add3A, %dma_wait3A_155, %dma_wait3A_156] : memref<8x32x16x128xf32, #tpu.memory_space<hbm>> -> memref<1x1x16x128xf32, #tpu.memory_space<hbm>>
      %dma_wait3A_158 = tpu.memref_squeeze %dma_wait3A_157 : memref<1x1x16x128xf32, #tpu.memory_space<hbm>> -> memref<16x128xf32, #tpu.memory_space<hbm>>
      %dma_wait3A_159 = arith.constant 0 : i32
      %dma_wait3A_160 = arith.constant 0 : i32
      %dma_wait3A_161 = tpu.memref_slice %arg4[%run_scoped3A_129, %add3A, %dma_wait3A_159, %dma_wait3A_160] : memref<8x32x16x128xf32, #tpu.memory_space<hbm>> -> memref<1x1x16x128xf32, #tpu.memory_space<hbm>>
      %dma_wait3A_162 = tpu.memref_squeeze %dma_wait3A_161 : memref<1x1x16x128xf32, #tpu.memory_space<hbm>> -> memref<16x128xf32, #tpu.memory_space<hbm>>
      %dma_wait3A_163 = arith.constant 0 : i32
      %dma_wait3A_164 = arith.constant 0 : i32
      %dma_wait3A_165 = tpu.memref_slice %arg7[%run_scoped3A_128, %dma_wait3A_163, %dma_wait3A_164] : memref<8x16x128xf32, #tpu.memory_space<vmem>> -> memref<1x16x128xf32, #tpu.memory_space<vmem>>
      %dma_wait3A_166 = tpu.memref_squeeze %dma_wait3A_165 : memref<1x16x128xf32, #tpu.memory_space<vmem>> -> memref<16x128xf32, #tpu.memory_space<vmem>>
      tpu.wait_dma2 semaphore(%run_scoped3A_136 : memref<!tpu.dma_semaphore, #tpu.memory_space<semaphore_mem>>) src(%dma_wait3A_166 : memref<16x128xf32, #tpu.memory_space<vmem>>) dst(%dma_wait3A_162 : memref<16x128xf32, #tpu.memory_space<hbm>>)
      tpu.yield
    }) : () -> ()
    %run_scoped3A_130 = arith.constant 5 : i32
    %run_scoped3A_131 = arith.constant 5 : i32
    "tpu.region"() ({
      %run_scoped3A_136 = tpu.sem_alloc : memref<!tpu.dma_semaphore, #tpu.memory_space<semaphore_mem>>
      %dma_start3A = arith.constant 0 : i32
      %dma_start3A_137 = arith.constant 0 : i32
      %dma_start3A_138 = tpu.memref_slice %arg7[%run_scoped3A_130, %dma_start3A, %dma_start3A_137] : memref<8x16x128xf32, #tpu.memory_space<vmem>> -> memref<1x16x128xf32, #tpu.memory_space<vmem>>
      %dma_start3A_139 = tpu.memref_squeeze %dma_start3A_138 : memref<1x16x128xf32, #tpu.memory_space<vmem>> -> memref<16x128xf32, #tpu.memory_space<vmem>>
      %dma_start3A_140 = arith.constant 0 : i32
      %dma_start3A_141 = arith.constant 0 : i32
      %dma_start3A_142 = tpu.memref_slice %arg4[%run_scoped3A_131, %add3A, %dma_start3A_140, %dma_start3A_141] : memref<8x32x16x128xf32, #tpu.memory_space<hbm>> -> memref<1x1x16x128xf32, #tpu.memory_space<hbm>>
      %dma_start3A_143 = tpu.memref_squeeze %dma_start3A_142 : memref<1x1x16x128xf32, #tpu.memory_space<hbm>> -> memref<16x128xf32, #tpu.memory_space<hbm>>
      %dma_start3A_144 = arith.constant 0 : i32
      %dma_start3A_145 = arith.constant 0 : i32
      %dma_start3A_146 = tpu.memref_slice %arg4[%run_scoped3A_131, %add3A, %dma_start3A_144, %dma_start3A_145] : memref<8x32x16x128xf32, #tpu.memory_space<hbm>> -> memref<1x1x16x128xf32, #tpu.memory_space<hbm>>
      %dma_start3A_147 = tpu.memref_squeeze %dma_start3A_146 : memref<1x1x16x128xf32, #tpu.memory_space<hbm>> -> memref<16x128xf32, #tpu.memory_space<hbm>>
      %dma_start3A_148 = arith.constant 0 : i32
      %dma_start3A_149 = arith.constant 0 : i32
      %dma_start3A_150 = tpu.memref_slice %arg7[%run_scoped3A_130, %dma_start3A_148, %dma_start3A_149] : memref<8x16x128xf32, #tpu.memory_space<vmem>> -> memref<1x16x128xf32, #tpu.memory_space<vmem>>
      %dma_start3A_151 = tpu.memref_squeeze %dma_start3A_150 : memref<1x16x128xf32, #tpu.memory_space<vmem>> -> memref<16x128xf32, #tpu.memory_space<vmem>>
      tpu.enqueue_dma source(%dma_start3A_151 : memref<16x128xf32, #tpu.memory_space<vmem>>) target(%dma_start3A_147 : memref<16x128xf32, #tpu.memory_space<hbm>>) target_semaphore(%run_scoped3A_136 : memref<!tpu.dma_semaphore, #tpu.memory_space<semaphore_mem>>)
      %dma_wait3A = arith.constant 0 : i32
      %dma_wait3A_152 = arith.constant 0 : i32
      %dma_wait3A_153 = tpu.memref_slice %arg7[%run_scoped3A_130, %dma_wait3A, %dma_wait3A_152] : memref<8x16x128xf32, #tpu.memory_space<vmem>> -> memref<1x16x128xf32, #tpu.memory_space<vmem>>
      %dma_wait3A_154 = tpu.memref_squeeze %dma_wait3A_153 : memref<1x16x128xf32, #tpu.memory_space<vmem>> -> memref<16x128xf32, #tpu.memory_space<vmem>>
      %dma_wait3A_155 = arith.constant 0 : i32
      %dma_wait3A_156 = arith.constant 0 : i32
      %dma_wait3A_157 = tpu.memref_slice %arg4[%run_scoped3A_131, %add3A, %dma_wait3A_155, %dma_wait3A_156] : memref<8x32x16x128xf32, #tpu.memory_space<hbm>> -> memref<1x1x16x128xf32, #tpu.memory_space<hbm>>
      %dma_wait3A_158 = tpu.memref_squeeze %dma_wait3A_157 : memref<1x1x16x128xf32, #tpu.memory_space<hbm>> -> memref<16x128xf32, #tpu.memory_space<hbm>>
      %dma_wait3A_159 = arith.constant 0 : i32
      %dma_wait3A_160 = arith.constant 0 : i32
      %dma_wait3A_161 = tpu.memref_slice %arg4[%run_scoped3A_131, %add3A, %dma_wait3A_159, %dma_wait3A_160] : memref<8x32x16x128xf32, #tpu.memory_space<hbm>> -> memref<1x1x16x128xf32, #tpu.memory_space<hbm>>
      %dma_wait3A_162 = tpu.memref_squeeze %dma_wait3A_161 : memref<1x1x16x128xf32, #tpu.memory_space<hbm>> -> memref<16x128xf32, #tpu.memory_space<hbm>>
      %dma_wait3A_163 = arith.constant 0 : i32
      %dma_wait3A_164 = arith.constant 0 : i32
      %dma_wait3A_165 = tpu.memref_slice %arg7[%run_scoped3A_130, %dma_wait3A_163, %dma_wait3A_164] : memref<8x16x128xf32, #tpu.memory_space<vmem>> -> memref<1x16x128xf32, #tpu.memory_space<vmem>>
      %dma_wait3A_166 = tpu.memref_squeeze %dma_wait3A_165 : memref<1x16x128xf32, #tpu.memory_space<vmem>> -> memref<16x128xf32, #tpu.memory_space<vmem>>
      tpu.wait_dma2 semaphore(%run_scoped3A_136 : memref<!tpu.dma_semaphore, #tpu.memory_space<semaphore_mem>>) src(%dma_wait3A_166 : memref<16x128xf32, #tpu.memory_space<vmem>>) dst(%dma_wait3A_162 : memref<16x128xf32, #tpu.memory_space<hbm>>)
      tpu.yield
    }) : () -> ()
    %run_scoped3A_132 = arith.constant 6 : i32
    %run_scoped3A_133 = arith.constant 6 : i32
    "tpu.region"() ({
      %run_scoped3A_136 = tpu.sem_alloc : memref<!tpu.dma_semaphore, #tpu.memory_space<semaphore_mem>>
      %dma_start3A = arith.constant 0 : i32
      %dma_start3A_137 = arith.constant 0 : i32
      %dma_start3A_138 = tpu.memref_slice %arg7[%run_scoped3A_132, %dma_start3A, %dma_start3A_137] : memref<8x16x128xf32, #tpu.memory_space<vmem>> -> memref<1x16x128xf32, #tpu.memory_space<vmem>>
      %dma_start3A_139 = tpu.memref_squeeze %dma_start3A_138 : memref<1x16x128xf32, #tpu.memory_space<vmem>> -> memref<16x128xf32, #tpu.memory_space<vmem>>
      %dma_start3A_140 = arith.constant 0 : i32
      %dma_start3A_141 = arith.constant 0 : i32
      %dma_start3A_142 = tpu.memref_slice %arg4[%run_scoped3A_133, %add3A, %dma_start3A_140, %dma_start3A_141] : memref<8x32x16x128xf32, #tpu.memory_space<hbm>> -> memref<1x1x16x128xf32, #tpu.memory_space<hbm>>
      %dma_start3A_143 = tpu.memref_squeeze %dma_start3A_142 : memref<1x1x16x128xf32, #tpu.memory_space<hbm>> -> memref<16x128xf32, #tpu.memory_space<hbm>>
      %dma_start3A_144 = arith.constant 0 : i32
      %dma_start3A_145 = arith.constant 0 : i32
      %dma_start3A_146 = tpu.memref_slice %arg4[%run_scoped3A_133, %add3A, %dma_start3A_144, %dma_start3A_145] : memref<8x32x16x128xf32, #tpu.memory_space<hbm>> -> memref<1x1x16x128xf32, #tpu.memory_space<hbm>>
      %dma_start3A_147 = tpu.memref_squeeze %dma_start3A_146 : memref<1x1x16x128xf32, #tpu.memory_space<hbm>> -> memref<16x128xf32, #tpu.memory_space<hbm>>
      %dma_start3A_148 = arith.constant 0 : i32
      %dma_start3A_149 = arith.constant 0 : i32
      %dma_start3A_150 = tpu.memref_slice %arg7[%run_scoped3A_132, %dma_start3A_148, %dma_start3A_149] : memref<8x16x128xf32, #tpu.memory_space<vmem>> -> memref<1x16x128xf32, #tpu.memory_space<vmem>>
      %dma_start3A_151 = tpu.memref_squeeze %dma_start3A_150 : memref<1x16x128xf32, #tpu.memory_space<vmem>> -> memref<16x128xf32, #tpu.memory_space<vmem>>
      tpu.enqueue_dma source(%dma_start3A_151 : memref<16x128xf32, #tpu.memory_space<vmem>>) target(%dma_start3A_147 : memref<16x128xf32, #tpu.memory_space<hbm>>) target_semaphore(%run_scoped3A_136 : memref<!tpu.dma_semaphore, #tpu.memory_space<semaphore_mem>>)
      %dma_wait3A = arith.constant 0 : i32
      %dma_wait3A_152 = arith.constant 0 : i32
      %dma_wait3A_153 = tpu.memref_slice %arg7[%run_scoped3A_132, %dma_wait3A, %dma_wait3A_152] : memref<8x16x128xf32, #tpu.memory_space<vmem>> -> memref<1x16x128xf32, #tpu.memory_space<vmem>>
      %dma_wait3A_154 = tpu.memref_squeeze %dma_wait3A_153 : memref<1x16x128xf32, #tpu.memory_space<vmem>> -> memref<16x128xf32, #tpu.memory_space<vmem>>
      %dma_wait3A_155 = arith.constant 0 : i32
      %dma_wait3A_156 = arith.constant 0 : i32
      %dma_wait3A_157 = tpu.memref_slice %arg4[%run_scoped3A_133, %add3A, %dma_wait3A_155, %dma_wait3A_156] : memref<8x32x16x128xf32, #tpu.memory_space<hbm>> -> memref<1x1x16x128xf32, #tpu.memory_space<hbm>>
      %dma_wait3A_158 = tpu.memref_squeeze %dma_wait3A_157 : memref<1x1x16x128xf32, #tpu.memory_space<hbm>> -> memref<16x128xf32, #tpu.memory_space<hbm>>
      %dma_wait3A_159 = arith.constant 0 : i32
      %dma_wait3A_160 = arith.constant 0 : i32
      %dma_wait3A_161 = tpu.memref_slice %arg4[%run_scoped3A_133, %add3A, %dma_wait3A_159, %dma_wait3A_160] : memref<8x32x16x128xf32, #tpu.memory_space<hbm>> -> memref<1x1x16x128xf32, #tpu.memory_space<hbm>>
      %dma_wait3A_162 = tpu.memref_squeeze %dma_wait3A_161 : memref<1x1x16x128xf32, #tpu.memory_space<hbm>> -> memref<16x128xf32, #tpu.memory_space<hbm>>
      %dma_wait3A_163 = arith.constant 0 : i32
      %dma_wait3A_164 = arith.constant 0 : i32
      %dma_wait3A_165 = tpu.memref_slice %arg7[%run_scoped3A_132, %dma_wait3A_163, %dma_wait3A_164] : memref<8x16x128xf32, #tpu.memory_space<vmem>> -> memref<1x16x128xf32, #tpu.memory_space<vmem>>
      %dma_wait3A_166 = tpu.memref_squeeze %dma_wait3A_165 : memref<1x16x128xf32, #tpu.memory_space<vmem>> -> memref<16x128xf32, #tpu.memory_space<vmem>>
      tpu.wait_dma2 semaphore(%run_scoped3A_136 : memref<!tpu.dma_semaphore, #tpu.memory_space<semaphore_mem>>) src(%dma_wait3A_166 : memref<16x128xf32, #tpu.memory_space<vmem>>) dst(%dma_wait3A_162 : memref<16x128xf32, #tpu.memory_space<hbm>>)
      tpu.yield
    }) : () -> ()
    %run_scoped3A_134 = arith.constant 7 : i32
    %run_scoped3A_135 = arith.constant 7 : i32
    "tpu.region"() ({
      %run_scoped3A_136 = tpu.sem_alloc : memref<!tpu.dma_semaphore, #tpu.memory_space<semaphore_mem>>
      %dma_start3A = arith.constant 0 : i32
      %dma_start3A_137 = arith.constant 0 : i32
      %dma_start3A_138 = tpu.memref_slice %arg7[%run_scoped3A_134, %dma_start3A, %dma_start3A_137] : memref<8x16x128xf32, #tpu.memory_space<vmem>> -> memref<1x16x128xf32, #tpu.memory_space<vmem>>
      %dma_start3A_139 = tpu.memref_squeeze %dma_start3A_138 : memref<1x16x128xf32, #tpu.memory_space<vmem>> -> memref<16x128xf32, #tpu.memory_space<vmem>>
      %dma_start3A_140 = arith.constant 0 : i32
      %dma_start3A_141 = arith.constant 0 : i32
      %dma_start3A_142 = tpu.memref_slice %arg4[%run_scoped3A_135, %add3A, %dma_start3A_140, %dma_start3A_141] : memref<8x32x16x128xf32, #tpu.memory_space<hbm>> -> memref<1x1x16x128xf32, #tpu.memory_space<hbm>>
      %dma_start3A_143 = tpu.memref_squeeze %dma_start3A_142 : memref<1x1x16x128xf32, #tpu.memory_space<hbm>> -> memref<16x128xf32, #tpu.memory_space<hbm>>
      %dma_start3A_144 = arith.constant 0 : i32
      %dma_start3A_145 = arith.constant 0 : i32
      %dma_start3A_146 = tpu.memref_slice %arg4[%run_scoped3A_135, %add3A, %dma_start3A_144, %dma_start3A_145] : memref<8x32x16x128xf32, #tpu.memory_space<hbm>> -> memref<1x1x16x128xf32, #tpu.memory_space<hbm>>
      %dma_start3A_147 = tpu.memref_squeeze %dma_start3A_146 : memref<1x1x16x128xf32, #tpu.memory_space<hbm>> -> memref<16x128xf32, #tpu.memory_space<hbm>>
      %dma_start3A_148 = arith.constant 0 : i32
      %dma_start3A_149 = arith.constant 0 : i32
      %dma_start3A_150 = tpu.memref_slice %arg7[%run_scoped3A_134, %dma_start3A_148, %dma_start3A_149] : memref<8x16x128xf32, #tpu.memory_space<vmem>> -> memref<1x16x128xf32, #tpu.memory_space<vmem>>
      %dma_start3A_151 = tpu.memref_squeeze %dma_start3A_150 : memref<1x16x128xf32, #tpu.memory_space<vmem>> -> memref<16x128xf32, #tpu.memory_space<vmem>>
      tpu.enqueue_dma source(%dma_start3A_151 : memref<16x128xf32, #tpu.memory_space<vmem>>) target(%dma_start3A_147 : memref<16x128xf32, #tpu.memory_space<hbm>>) target_semaphore(%run_scoped3A_136 : memref<!tpu.dma_semaphore, #tpu.memory_space<semaphore_mem>>)
      %dma_wait3A = arith.constant 0 : i32
      %dma_wait3A_152 = arith.constant 0 : i32
      %dma_wait3A_153 = tpu.memref_slice %arg7[%run_scoped3A_134, %dma_wait3A, %dma_wait3A_152] : memref<8x16x128xf32, #tpu.memory_space<vmem>> -> memref<1x16x128xf32, #tpu.memory_space<vmem>>
      %dma_wait3A_154 = tpu.memref_squeeze %dma_wait3A_153 : memref<1x16x128xf32, #tpu.memory_space<vmem>> -> memref<16x128xf32, #tpu.memory_space<vmem>>
      %dma_wait3A_155 = arith.constant 0 : i32
      %dma_wait3A_156 = arith.constant 0 : i32
      %dma_wait3A_157 = tpu.memref_slice %arg4[%run_scoped3A_135, %add3A, %dma_wait3A_155, %dma_wait3A_156] : memref<8x32x16x128xf32, #tpu.memory_space<hbm>> -> memref<1x1x16x128xf32, #tpu.memory_space<hbm>>
      %dma_wait3A_158 = tpu.memref_squeeze %dma_wait3A_157 : memref<1x1x16x128xf32, #tpu.memory_space<hbm>> -> memref<16x128xf32, #tpu.memory_space<hbm>>
      %dma_wait3A_159 = arith.constant 0 : i32
      %dma_wait3A_160 = arith.constant 0 : i32
      %dma_wait3A_161 = tpu.memref_slice %arg4[%run_scoped3A_135, %add3A, %dma_wait3A_159, %dma_wait3A_160] : memref<8x32x16x128xf32, #tpu.memory_space<hbm>> -> memref<1x1x16x128xf32, #tpu.memory_space<hbm>>
      %dma_wait3A_162 = tpu.memref_squeeze %dma_wait3A_161 : memref<1x1x16x128xf32, #tpu.memory_space<hbm>> -> memref<16x128xf32, #tpu.memory_space<hbm>>
      %dma_wait3A_163 = arith.constant 0 : i32
      %dma_wait3A_164 = arith.constant 0 : i32
      %dma_wait3A_165 = tpu.memref_slice %arg7[%run_scoped3A_134, %dma_wait3A_163, %dma_wait3A_164] : memref<8x16x128xf32, #tpu.memory_space<vmem>> -> memref<1x16x128xf32, #tpu.memory_space<vmem>>
      %dma_wait3A_166 = tpu.memref_squeeze %dma_wait3A_165 : memref<1x16x128xf32, #tpu.memory_space<vmem>> -> memref<16x128xf32, #tpu.memory_space<vmem>>
      tpu.wait_dma2 semaphore(%run_scoped3A_136 : memref<!tpu.dma_semaphore, #tpu.memory_space<semaphore_mem>>) src(%dma_wait3A_166 : memref<16x128xf32, #tpu.memory_space<vmem>>) dst(%dma_wait3A_162 : memref<16x128xf32, #tpu.memory_space<hbm>>)
      tpu.yield
    }) : () -> ()
    return
  }
}

module attributes {stable_mosaic.version = 14 : i64} {
  func.func @_tc_body(%arg0: memref<8x64x1024xf32, #tpu.memory_space<vmem>>, %arg1: memref<64x1024xf32, #tpu.memory_space<vmem>>, %arg2: memref<64xf32, #tpu.memory_space<vmem>>) attributes {dimension_semantics = [], scalar_prefetch = 0 : i64, scratch_operands = 0 : i64, tpu.core_type = #tpu.core_type<tc>} {
    %get3A = arith.constant 0 : index
    %get3A_0 = arith.constant 0 : index
    %get3A_1 = vector.load %arg1[%get3A, %get3A_0] : memref<64x1024xf32, #tpu.memory_space<vmem>>, vector<64x1024xf32>
    %mul3A = arith.constant 2.560000e+02 : f32
    %mul3A_2 = vector.broadcast %mul3A : f32 to vector<64x1024xf32>
    %mul3A_3 = arith.mulf %get3A_1, %mul3A_2 : vector<64x1024xf32>
    %convert_element_type3A = arith.fptosi %mul3A_3 : vector<64x1024xf32> to vector<64x1024xi32>
    %broadcast_in_dim3A = arith.constant 0.000000e+00 : f32
    %broadcast_in_dim3A_4 = vector.broadcast %broadcast_in_dim3A : f32 to vector<64x1024xf32>
    %get3A_5 = arith.constant 0 : index
    %get3A_6 = arith.constant 0 : index
    %get3A_7 = arith.constant 0 : index
    %get3A_8 = vector.load %arg0[%get3A_5, %get3A_6, %get3A_7] : memref<8x64x1024xf32, #tpu.memory_space<vmem>>, vector<1x64x1024xf32>
    %get3A_9 = vector.shape_cast %get3A_8 : vector<1x64x1024xf32> to vector<64x1024xf32>
    %shift_right_arithmetic3A = arith.constant 7 : i32
    %shift_right_arithmetic3A_10 = vector.broadcast %shift_right_arithmetic3A : i32 to vector<64x1024xi32>
    %shift_right_arithmetic3A_11 = arith.shrsi %convert_element_type3A, %shift_right_arithmetic3A_10 : vector<64x1024xi32>
    %and3A = arith.constant 1 : i32
    %and3A_12 = vector.broadcast %and3A : i32 to vector<64x1024xi32>
    %and3A_13 = arith.andi %shift_right_arithmetic3A_11, %and3A_12 : vector<64x1024xi32>
    %convert_element_type3A_14 = arith.sitofp %and3A_13 : vector<64x1024xi32> to vector<64x1024xf32>
    %max3A = arith.constant 0.000000e+00 : f32
    %max3A_15 = vector.broadcast %max3A : f32 to vector<64x1024xf32>
    %max3A_16 = arith.maximumf %get3A_9, %max3A_15 : vector<64x1024xf32>
    %abs3A = math.absf %get3A_9 : vector<64x1024xf32>
    %neg3A = arith.constant 0.000000e+00 : f32
    %neg3A_17 = vector.broadcast %neg3A : f32 to vector<64x1024xf32>
    %neg3A_18 = arith.subf %neg3A_17, %abs3A : vector<64x1024xf32>
    %exp3A = math.exp %neg3A_18 : vector<64x1024xf32>
    %log1p3A = math.log1p %exp3A : vector<64x1024xf32>
    %add3A = arith.addf %max3A_16, %log1p3A : vector<64x1024xf32>
    %mul3A_19 = arith.mulf %convert_element_type3A_14, %get3A_9 : vector<64x1024xf32>
    %add3A_20 = arith.addf %broadcast_in_dim3A_4, %mul3A_19 : vector<64x1024xf32>
    %sub3A = arith.subf %add3A_20, %add3A : vector<64x1024xf32>
    %get3A_21 = arith.constant 1 : index
    %get3A_22 = arith.constant 0 : index
    %get3A_23 = arith.constant 0 : index
    %get3A_24 = vector.load %arg0[%get3A_21, %get3A_22, %get3A_23] : memref<8x64x1024xf32, #tpu.memory_space<vmem>>, vector<1x64x1024xf32>
    %get3A_25 = vector.shape_cast %get3A_24 : vector<1x64x1024xf32> to vector<64x1024xf32>
    %shift_right_arithmetic3A_26 = arith.constant 6 : i32
    %shift_right_arithmetic3A_27 = vector.broadcast %shift_right_arithmetic3A_26 : i32 to vector<64x1024xi32>
    %shift_right_arithmetic3A_28 = arith.shrsi %convert_element_type3A, %shift_right_arithmetic3A_27 : vector<64x1024xi32>
    %and3A_29 = arith.constant 1 : i32
    %and3A_30 = vector.broadcast %and3A_29 : i32 to vector<64x1024xi32>
    %and3A_31 = arith.andi %shift_right_arithmetic3A_28, %and3A_30 : vector<64x1024xi32>
    %convert_element_type3A_32 = arith.sitofp %and3A_31 : vector<64x1024xi32> to vector<64x1024xf32>
    %max3A_33 = arith.constant 0.000000e+00 : f32
    %max3A_34 = vector.broadcast %max3A_33 : f32 to vector<64x1024xf32>
    %max3A_35 = arith.maximumf %get3A_25, %max3A_34 : vector<64x1024xf32>
    %abs3A_36 = math.absf %get3A_25 : vector<64x1024xf32>
    %neg3A_37 = arith.constant 0.000000e+00 : f32
    %neg3A_38 = vector.broadcast %neg3A_37 : f32 to vector<64x1024xf32>
    %neg3A_39 = arith.subf %neg3A_38, %abs3A_36 : vector<64x1024xf32>
    %exp3A_40 = math.exp %neg3A_39 : vector<64x1024xf32>
    %log1p3A_41 = math.log1p %exp3A_40 : vector<64x1024xf32>
    %add3A_42 = arith.addf %max3A_35, %log1p3A_41 : vector<64x1024xf32>
    %mul3A_43 = arith.mulf %convert_element_type3A_32, %get3A_25 : vector<64x1024xf32>
    %add3A_44 = arith.addf %sub3A, %mul3A_43 : vector<64x1024xf32>
    %sub3A_45 = arith.subf %add3A_44, %add3A_42 : vector<64x1024xf32>
    %get3A_46 = arith.constant 2 : index
    %get3A_47 = arith.constant 0 : index
    %get3A_48 = arith.constant 0 : index
    %get3A_49 = vector.load %arg0[%get3A_46, %get3A_47, %get3A_48] : memref<8x64x1024xf32, #tpu.memory_space<vmem>>, vector<1x64x1024xf32>
    %get3A_50 = vector.shape_cast %get3A_49 : vector<1x64x1024xf32> to vector<64x1024xf32>
    %shift_right_arithmetic3A_51 = arith.constant 5 : i32
    %shift_right_arithmetic3A_52 = vector.broadcast %shift_right_arithmetic3A_51 : i32 to vector<64x1024xi32>
    %shift_right_arithmetic3A_53 = arith.shrsi %convert_element_type3A, %shift_right_arithmetic3A_52 : vector<64x1024xi32>
    %and3A_54 = arith.constant 1 : i32
    %and3A_55 = vector.broadcast %and3A_54 : i32 to vector<64x1024xi32>
    %and3A_56 = arith.andi %shift_right_arithmetic3A_53, %and3A_55 : vector<64x1024xi32>
    %convert_element_type3A_57 = arith.sitofp %and3A_56 : vector<64x1024xi32> to vector<64x1024xf32>
    %max3A_58 = arith.constant 0.000000e+00 : f32
    %max3A_59 = vector.broadcast %max3A_58 : f32 to vector<64x1024xf32>
    %max3A_60 = arith.maximumf %get3A_50, %max3A_59 : vector<64x1024xf32>
    %abs3A_61 = math.absf %get3A_50 : vector<64x1024xf32>
    %neg3A_62 = arith.constant 0.000000e+00 : f32
    %neg3A_63 = vector.broadcast %neg3A_62 : f32 to vector<64x1024xf32>
    %neg3A_64 = arith.subf %neg3A_63, %abs3A_61 : vector<64x1024xf32>
    %exp3A_65 = math.exp %neg3A_64 : vector<64x1024xf32>
    %log1p3A_66 = math.log1p %exp3A_65 : vector<64x1024xf32>
    %add3A_67 = arith.addf %max3A_60, %log1p3A_66 : vector<64x1024xf32>
    %mul3A_68 = arith.mulf %convert_element_type3A_57, %get3A_50 : vector<64x1024xf32>
    %add3A_69 = arith.addf %sub3A_45, %mul3A_68 : vector<64x1024xf32>
    %sub3A_70 = arith.subf %add3A_69, %add3A_67 : vector<64x1024xf32>
    %get3A_71 = arith.constant 3 : index
    %get3A_72 = arith.constant 0 : index
    %get3A_73 = arith.constant 0 : index
    %get3A_74 = vector.load %arg0[%get3A_71, %get3A_72, %get3A_73] : memref<8x64x1024xf32, #tpu.memory_space<vmem>>, vector<1x64x1024xf32>
    %get3A_75 = vector.shape_cast %get3A_74 : vector<1x64x1024xf32> to vector<64x1024xf32>
    %shift_right_arithmetic3A_76 = arith.constant 4 : i32
    %shift_right_arithmetic3A_77 = vector.broadcast %shift_right_arithmetic3A_76 : i32 to vector<64x1024xi32>
    %shift_right_arithmetic3A_78 = arith.shrsi %convert_element_type3A, %shift_right_arithmetic3A_77 : vector<64x1024xi32>
    %and3A_79 = arith.constant 1 : i32
    %and3A_80 = vector.broadcast %and3A_79 : i32 to vector<64x1024xi32>
    %and3A_81 = arith.andi %shift_right_arithmetic3A_78, %and3A_80 : vector<64x1024xi32>
    %convert_element_type3A_82 = arith.sitofp %and3A_81 : vector<64x1024xi32> to vector<64x1024xf32>
    %max3A_83 = arith.constant 0.000000e+00 : f32
    %max3A_84 = vector.broadcast %max3A_83 : f32 to vector<64x1024xf32>
    %max3A_85 = arith.maximumf %get3A_75, %max3A_84 : vector<64x1024xf32>
    %abs3A_86 = math.absf %get3A_75 : vector<64x1024xf32>
    %neg3A_87 = arith.constant 0.000000e+00 : f32
    %neg3A_88 = vector.broadcast %neg3A_87 : f32 to vector<64x1024xf32>
    %neg3A_89 = arith.subf %neg3A_88, %abs3A_86 : vector<64x1024xf32>
    %exp3A_90 = math.exp %neg3A_89 : vector<64x1024xf32>
    %log1p3A_91 = math.log1p %exp3A_90 : vector<64x1024xf32>
    %add3A_92 = arith.addf %max3A_85, %log1p3A_91 : vector<64x1024xf32>
    %mul3A_93 = arith.mulf %convert_element_type3A_82, %get3A_75 : vector<64x1024xf32>
    %add3A_94 = arith.addf %sub3A_70, %mul3A_93 : vector<64x1024xf32>
    %sub3A_95 = arith.subf %add3A_94, %add3A_92 : vector<64x1024xf32>
    %get3A_96 = arith.constant 4 : index
    %get3A_97 = arith.constant 0 : index
    %get3A_98 = arith.constant 0 : index
    %get3A_99 = vector.load %arg0[%get3A_96, %get3A_97, %get3A_98] : memref<8x64x1024xf32, #tpu.memory_space<vmem>>, vector<1x64x1024xf32>
    %get3A_100 = vector.shape_cast %get3A_99 : vector<1x64x1024xf32> to vector<64x1024xf32>
    %shift_right_arithmetic3A_101 = arith.constant 3 : i32
    %shift_right_arithmetic3A_102 = vector.broadcast %shift_right_arithmetic3A_101 : i32 to vector<64x1024xi32>
    %shift_right_arithmetic3A_103 = arith.shrsi %convert_element_type3A, %shift_right_arithmetic3A_102 : vector<64x1024xi32>
    %and3A_104 = arith.constant 1 : i32
    %and3A_105 = vector.broadcast %and3A_104 : i32 to vector<64x1024xi32>
    %and3A_106 = arith.andi %shift_right_arithmetic3A_103, %and3A_105 : vector<64x1024xi32>
    %convert_element_type3A_107 = arith.sitofp %and3A_106 : vector<64x1024xi32> to vector<64x1024xf32>
    %max3A_108 = arith.constant 0.000000e+00 : f32
    %max3A_109 = vector.broadcast %max3A_108 : f32 to vector<64x1024xf32>
    %max3A_110 = arith.maximumf %get3A_100, %max3A_109 : vector<64x1024xf32>
    %abs3A_111 = math.absf %get3A_100 : vector<64x1024xf32>
    %neg3A_112 = arith.constant 0.000000e+00 : f32
    %neg3A_113 = vector.broadcast %neg3A_112 : f32 to vector<64x1024xf32>
    %neg3A_114 = arith.subf %neg3A_113, %abs3A_111 : vector<64x1024xf32>
    %exp3A_115 = math.exp %neg3A_114 : vector<64x1024xf32>
    %log1p3A_116 = math.log1p %exp3A_115 : vector<64x1024xf32>
    %add3A_117 = arith.addf %max3A_110, %log1p3A_116 : vector<64x1024xf32>
    %mul3A_118 = arith.mulf %convert_element_type3A_107, %get3A_100 : vector<64x1024xf32>
    %add3A_119 = arith.addf %sub3A_95, %mul3A_118 : vector<64x1024xf32>
    %sub3A_120 = arith.subf %add3A_119, %add3A_117 : vector<64x1024xf32>
    %get3A_121 = arith.constant 5 : index
    %get3A_122 = arith.constant 0 : index
    %get3A_123 = arith.constant 0 : index
    %get3A_124 = vector.load %arg0[%get3A_121, %get3A_122, %get3A_123] : memref<8x64x1024xf32, #tpu.memory_space<vmem>>, vector<1x64x1024xf32>
    %get3A_125 = vector.shape_cast %get3A_124 : vector<1x64x1024xf32> to vector<64x1024xf32>
    %shift_right_arithmetic3A_126 = arith.constant 2 : i32
    %shift_right_arithmetic3A_127 = vector.broadcast %shift_right_arithmetic3A_126 : i32 to vector<64x1024xi32>
    %shift_right_arithmetic3A_128 = arith.shrsi %convert_element_type3A, %shift_right_arithmetic3A_127 : vector<64x1024xi32>
    %and3A_129 = arith.constant 1 : i32
    %and3A_130 = vector.broadcast %and3A_129 : i32 to vector<64x1024xi32>
    %and3A_131 = arith.andi %shift_right_arithmetic3A_128, %and3A_130 : vector<64x1024xi32>
    %convert_element_type3A_132 = arith.sitofp %and3A_131 : vector<64x1024xi32> to vector<64x1024xf32>
    %max3A_133 = arith.constant 0.000000e+00 : f32
    %max3A_134 = vector.broadcast %max3A_133 : f32 to vector<64x1024xf32>
    %max3A_135 = arith.maximumf %get3A_125, %max3A_134 : vector<64x1024xf32>
    %abs3A_136 = math.absf %get3A_125 : vector<64x1024xf32>
    %neg3A_137 = arith.constant 0.000000e+00 : f32
    %neg3A_138 = vector.broadcast %neg3A_137 : f32 to vector<64x1024xf32>
    %neg3A_139 = arith.subf %neg3A_138, %abs3A_136 : vector<64x1024xf32>
    %exp3A_140 = math.exp %neg3A_139 : vector<64x1024xf32>
    %log1p3A_141 = math.log1p %exp3A_140 : vector<64x1024xf32>
    %add3A_142 = arith.addf %max3A_135, %log1p3A_141 : vector<64x1024xf32>
    %mul3A_143 = arith.mulf %convert_element_type3A_132, %get3A_125 : vector<64x1024xf32>
    %add3A_144 = arith.addf %sub3A_120, %mul3A_143 : vector<64x1024xf32>
    %sub3A_145 = arith.subf %add3A_144, %add3A_142 : vector<64x1024xf32>
    %get3A_146 = arith.constant 6 : index
    %get3A_147 = arith.constant 0 : index
    %get3A_148 = arith.constant 0 : index
    %get3A_149 = vector.load %arg0[%get3A_146, %get3A_147, %get3A_148] : memref<8x64x1024xf32, #tpu.memory_space<vmem>>, vector<1x64x1024xf32>
    %get3A_150 = vector.shape_cast %get3A_149 : vector<1x64x1024xf32> to vector<64x1024xf32>
    %shift_right_arithmetic3A_151 = arith.constant 1 : i32
    %shift_right_arithmetic3A_152 = vector.broadcast %shift_right_arithmetic3A_151 : i32 to vector<64x1024xi32>
    %shift_right_arithmetic3A_153 = arith.shrsi %convert_element_type3A, %shift_right_arithmetic3A_152 : vector<64x1024xi32>
    %and3A_154 = arith.constant 1 : i32
    %and3A_155 = vector.broadcast %and3A_154 : i32 to vector<64x1024xi32>
    %and3A_156 = arith.andi %shift_right_arithmetic3A_153, %and3A_155 : vector<64x1024xi32>
    %convert_element_type3A_157 = arith.sitofp %and3A_156 : vector<64x1024xi32> to vector<64x1024xf32>
    %max3A_158 = arith.constant 0.000000e+00 : f32
    %max3A_159 = vector.broadcast %max3A_158 : f32 to vector<64x1024xf32>
    %max3A_160 = arith.maximumf %get3A_150, %max3A_159 : vector<64x1024xf32>
    %abs3A_161 = math.absf %get3A_150 : vector<64x1024xf32>
    %neg3A_162 = arith.constant 0.000000e+00 : f32
    %neg3A_163 = vector.broadcast %neg3A_162 : f32 to vector<64x1024xf32>
    %neg3A_164 = arith.subf %neg3A_163, %abs3A_161 : vector<64x1024xf32>
    %exp3A_165 = math.exp %neg3A_164 : vector<64x1024xf32>
    %log1p3A_166 = math.log1p %exp3A_165 : vector<64x1024xf32>
    %add3A_167 = arith.addf %max3A_160, %log1p3A_166 : vector<64x1024xf32>
    %mul3A_168 = arith.mulf %convert_element_type3A_157, %get3A_150 : vector<64x1024xf32>
    %add3A_169 = arith.addf %sub3A_145, %mul3A_168 : vector<64x1024xf32>
    %sub3A_170 = arith.subf %add3A_169, %add3A_167 : vector<64x1024xf32>
    %get3A_171 = arith.constant 7 : index
    %get3A_172 = arith.constant 0 : index
    %get3A_173 = arith.constant 0 : index
    %get3A_174 = vector.load %arg0[%get3A_171, %get3A_172, %get3A_173] : memref<8x64x1024xf32, #tpu.memory_space<vmem>>, vector<1x64x1024xf32>
    %get3A_175 = vector.shape_cast %get3A_174 : vector<1x64x1024xf32> to vector<64x1024xf32>
    %shift_right_arithmetic3A_176 = arith.constant 0 : i32
    %shift_right_arithmetic3A_177 = vector.broadcast %shift_right_arithmetic3A_176 : i32 to vector<64x1024xi32>
    %shift_right_arithmetic3A_178 = arith.shrsi %convert_element_type3A, %shift_right_arithmetic3A_177 : vector<64x1024xi32>
    %and3A_179 = arith.constant 1 : i32
    %and3A_180 = vector.broadcast %and3A_179 : i32 to vector<64x1024xi32>
    %and3A_181 = arith.andi %shift_right_arithmetic3A_178, %and3A_180 : vector<64x1024xi32>
    %convert_element_type3A_182 = arith.sitofp %and3A_181 : vector<64x1024xi32> to vector<64x1024xf32>
    %max3A_183 = arith.constant 0.000000e+00 : f32
    %max3A_184 = vector.broadcast %max3A_183 : f32 to vector<64x1024xf32>
    %max3A_185 = arith.maximumf %get3A_175, %max3A_184 : vector<64x1024xf32>
    %abs3A_186 = math.absf %get3A_175 : vector<64x1024xf32>
    %neg3A_187 = arith.constant 0.000000e+00 : f32
    %neg3A_188 = vector.broadcast %neg3A_187 : f32 to vector<64x1024xf32>
    %neg3A_189 = arith.subf %neg3A_188, %abs3A_186 : vector<64x1024xf32>
    %exp3A_190 = math.exp %neg3A_189 : vector<64x1024xf32>
    %log1p3A_191 = math.log1p %exp3A_190 : vector<64x1024xf32>
    %add3A_192 = arith.addf %max3A_185, %log1p3A_191 : vector<64x1024xf32>
    %mul3A_193 = arith.mulf %convert_element_type3A_182, %get3A_175 : vector<64x1024xf32>
    %add3A_194 = arith.addf %sub3A_170, %mul3A_193 : vector<64x1024xf32>
    %sub3A_195 = arith.subf %add3A_194, %add3A_192 : vector<64x1024xf32>
    %reduce_sum3A = arith.constant dense<0.000000e+00> : vector<64xf32>
    %reduce_sum3A_196 = vector.multi_reduction <add>, %sub3A_195, %reduce_sum3A [1] : vector<64x1024xf32> to vector<64xf32>
    %swap3A = arith.constant 0 : index
    %swap3A_197 = vector.load %arg2[%swap3A] : memref<64xf32, #tpu.memory_space<vmem>>, vector<64xf32>
    tpu.vector_store %arg2[%swap3A], %reduce_sum3A_196 {strides = array<i32>} : memref<64xf32, #tpu.memory_space<vmem>>, vector<64xf32>,
    return
  }
}

</mosaic_0001>

<sc_bundles>
// kernel: kernel.4.cloned.1.call-start
scs
__scs_entry_jumppad:
0x0: {  	(pc) =	sbr.rel $0x88, $3  }
0x1: {  	(tag) =	ssettag $0x0;
	lr =	simm.s32 $0x1  }
0x2: {  	[smem:$0x3F9F] =	sst lr;
	_ =	strace $0xD0000000  }
0x3: {  	_ = 	snop  }
0x4: {  	_ = 	snop  }
0x5: {  	_ = 	snop  }
0x6: {  	_ = 	snop  }
0x7: {  	_ = 	snop  }
__scs_overlays_trampoline_lowered:
0x8: {  	[smem:$0x3FAE] =	sst s0  }
0x9: {  	[smem:$0x3FAF] =	sst s1  }
0xa: {  	[smem:$0x3FB0] =	sst s2  }
0xb: {  	[smem:$0x3FB1] =	sst s3  }
0xc: {  	[smem:$0x3FB2] =	sst s4  }
0xd: {  	[smem:$0x3FB3] =	sst s5  }
0xe: {  	[smem:$0x3FB4] =	sst s6  }
0xf: {  	[smem:$0x3FB5] =	sst s7  }
0x10: {  	[smem:$0x3FB6] =	sst s8  }
0x11: {  	[smem:$0x3FB7] =	sst s9;
	s0 =	simm.s32 @!p0 $0x0  }
0x12: {  	s1 =	sld [smem:$0x3F9D];
	s0 =	simm.s32 @p0 $0x1  }
0x13: {  	[smem:$0x3FB8] =	sst s0;
	s0 =	simm.s32 @!p1 $0x0  }
0x14: {  	s2 =	sld [smem:$0x3F9C];
	s0 =	simm.s32 @p1 $0x1  }
0x15: {  	[smem:$0x3FB9] =	sst s0;
	s0 =	simm.s32 @!p2 $0x0  }
0x16: {  	s3 =	sld [smem:$0x3FDB];
	s0 =	simm.s32 @p2 $0x1  }
0x17: {  	s4 =	simm.s32 $0x1BF5;
	[smem:$0x3FBB] =	sst s0  }
0x18: {  	s0 =	sld [smem:$0x3F9E];
	_ =	swait.ge [sflag:s4], $0x0  }
0x19: {  	s7 =	sld [smem:$0x3F9F]  }
0x1a: {  	s8 =	sadd.s32 $0xFFFFE003, lr  }
0x1b: {  	s9 =	sadd.s32 $0xFFFFFEF7, lr;
	s5 =	simm.s32 $0xFFFFFFFF;
	p2 =	slt.u32 s8, $0xFFFFF086  }
0x1c: {  	p1 =	slt.u32 s9, $0xF7A;
	s5 =	simm.s32 @!p2 $0x0  }
0x1d: {  	s5 =	simm.s32 @p1 $0x1;
	p0 =	seq.s32 s7, s2  }
0x1e: {  	s7 =	smul.u32 @!p0 $0xF7A, s2;
	p2 =	seq.s32 @!p0 s5, $0x0  }
0x1f: {  	s9 =	smul.u32 $0xF7A, s1;
	s8 =	simm.s32 @!p0 $0x1BF5;
	p2 =	por !p2, p0  }
0x20: {  	[sflag:s8] =	ssyncset.s32 @!p0 $0xFFFFF086;
	s6 =	sadd.s32 @!p0 s3, s7;
	s7 =	simm.s32 @!p0 $0x108  }
0x21: {  	s3 =	sadd.s32 s3, s9;
	s6 =	sadd.s32 @!p0 $0x88, s6;
	s7 =	simm.s32 @p2 $0x1082  }
0x22: {  	[simem:s7], [sflag:s8] =	dma.local @!p0 [hbm:s6], $0xF7A  }
0x23: {  	s9 =	sor.u32 $0xD0000000, s2;
	s6 =	simm.s32 $0x108;
	_ =	swait.ge @!p0 [sflag:s8], $0x0  }
0x24: {  	s3 =	sadd.s32 $0x88, s3;
	s6 =	simm.s32 @!p1 $0x1082;
	[sflag:s4] =	ssyncset.s32 $0xFFFFF086  }
0x25: {  	[simem:s6], [sflag:s4] =	dma.local [hbm:s3], $0xF7A  }
0x26: {  	[smem:$0x3F9F] =	sst s1;
	(tag) =	ssettag s2;
	_ =	strace s9  }
0x27: {  	s1 =	sld [smem:$0x3FAF]  }
0x28: {  	s2 =	sld [smem:$0x3FB0]  }
0x29: {  	s4 =	sld [smem:$0x3FB2]  }
0x2a: {  	p0 =	seq.s32 s5, $0x0;
	s5 =	sld [smem:$0x3FB3]  }
0x2b: {  	s6 =	sld [smem:$0x3FB4]  }
0x2c: {  	s7 =	sld [smem:$0x3FB5]  }
0x2d: {  	s3 =	simm.s32 $0x108;
	s8 =	sld [smem:$0x3FB6]  }
0x2e: {  	s3 =	simm.s32 @!p0 $0x1082;
	s9 =	sld [smem:$0x3FB7]  }
0x2f: {  	lr =	sadd.s32 s0, s3;
	s0 =	sld [smem:$0x3FAE]  }
0x30: {  	s3 =	sld [smem:$0x3FB1]  }
0x31: {  	[smem:$0x3FBA] =	sst s10  }
0x32: {  	s10 =	sld [smem:$0x3FB8];
	_ =	sdelay $0x3  }
0x33: {  	p0 =	seq.s32 s10, $0x1;
	s10 =	sld [smem:$0x3FBA];
	_ =	sdelay $0x3  }
0x34: {  	[smem:$0x3FBA] =	sst s10  }
0x35: {  	s10 =	sld [smem:$0x3FB9];
	_ =	sdelay $0x3  }
0x36: {  	p1 =	seq.s32 s10, $0x1;
	s10 =	sld [smem:$0x3FBA];
	_ =	sdelay $0x3  }
0x37: {  	[smem:$0x3FBA] =	sst s10  }
0x38: {  	s10 =	sld [smem:$0x3FBB]  }
0x39: {  	_ = 	snop;
	(pc) =	sbr.ind lr, $3  }
0x3a: {  	_ = 	snop  }
0x3b: {  	_ = 	snop  }
0x3c: {  	p2 =	seq.s32 s10, $0x1;
	s10 =	sld [smem:$0x3FBA]  }
0x3d: {  	_ =	shalt  }
0x3e: {  	_ =	shalt  }
0x3f: {  	_ =	shalt  }
0x40: {  	_ =	shalt  }
0x41: {  	_ =	shalt  }
0x42: {  	_ =	shalt  }
0x43: {  	_ =	shalt  }
0x44: {  	_ =	shalt  }
0x45: {  	_ =	shalt  }
0x46: {  	_ =	shalt  }
0x47: {  	_ =	shalt  }
0x48: {  	_ =	shalt  }
0x49: {  	_ =	shalt  }
0x4a: {  	_ =	shalt  }
0x4b: {  	_ =	shalt  }
0x4c: {  	_ =	shalt  }
0x4d: {  	_ =	shalt  }
0x4e: {  	_ =	shalt  }
0x4f: {  	_ =	shalt  }
0x50: {  	_ =	shalt  }
0x51: {  	_ =	shalt  }
0x52: {  	_ =	shalt  }
0x53: {  	_ =	shalt  }
0x54: {  	_ =	shalt  }
0x55: {  	_ =	shalt  }
0x56: {  	_ =	shalt  }
0x57: {  	_ =	shalt  }
0x58: {  	_ =	shalt  }
0x59: {  	_ =	shalt  }
0x5a: {  	_ =	shalt  }
0x5b: {  	_ =	shalt  }
0x5c: {  	_ =	shalt  }
0x5d: {  	_ =	shalt  }
0x5e: {  	_ =	shalt  }
0x5f: {  	_ =	shalt  }
0x60: {  	_ =	shalt  }
0x61: {  	_ =	shalt  }
0x62: {  	_ =	shalt  }
0x63: {  	_ =	shalt  }
0x64: {  	_ =	shalt  }
0x65: {  	_ =	shalt  }
0x66: {  	_ =	shalt  }
0x67: {  	_ =	shalt  }
0x68: {  	_ =	shalt  }
0x69: {  	_ =	shalt  }
0x6a: {  	_ =	shalt  }
0x6b: {  	_ =	shalt  }
0x6c: {  	_ =	shalt  }
0x6d: {  	_ =	shalt  }
0x6e: {  	_ =	shalt  }
0x6f: {  	_ =	shalt  }
0x70: {  	_ =	shalt  }
0x71: {  	_ =	shalt  }
0x72: {  	_ =	shalt  }
0x73: {  	_ =	shalt  }
0x74: {  	_ =	shalt  }
0x75: {  	_ =	shalt  }
0x76: {  	_ =	shalt  }
0x77: {  	_ =	shalt  }
0x78: {  	_ =	shalt  }
0x79: {  	_ =	shalt  }
0x7a: {  	_ =	shalt  }
0x7b: {  	_ =	shalt  }
0x7c: {  	_ =	shalt  }
0x7d: {  	_ =	shalt  }
0x7e: {  	_ =	shalt  }
0x7f: {  	_ =	shalt  }
0x80: {  	_ =	shalt  }
0x81: {  	_ =	shalt  }
0x82: {  	_ =	shalt  }
0x83: {  	_ =	shalt  }
0x84: {  	_ =	shalt  }
0x85: {  	_ =	shalt  }
0x86: {  	_ =	shalt  }
0x87: {  	_ =	shalt  }
.Lfunc_end0:
.L_simem_size_0:
called_computation_lowered:
.L_overlay_start_0:
0x88: {  	s2 =	sld [smem:$0x3FD9]  }
0x89: {  	s3 =	sld [smem:$0x3FFE];
	_ =	sdelay $0x1  }
0x8a: {  	s1 =	srdreg.scid  }
0x8b: {  	s0 =	sand.u32 $0x1, s1  }
0x8c: {  	s16 =	sshll.u32 s0, $0xA;
	s2 =	sadd.s32 s3, s2  }
0x8d: {  	s2 =	sadd.s32 s2, s16  }
0x8e: {  	[smem:$0x3FC6] =	sst s2  }
0x8f: {  	_ = 	snop  }
0x90: {  	(tm) =	ssettm $0x1  }
0x91: {  	s17 =	sld [smem:$0x3FFB];
	_ =	sdelay $0x3  }
0x92: {  	_ =	strace s17  }
0x93: {  	s2 =	sld [smem:$0x3FFC];
	_ =	sdelay $0x3  }
0x94: {  	_ =	strace s2  }
0x95: {  	s2 =	sld [smem:$0x3FFD];
	_ =	sdelay $0x3  }
0x96: {  	_ =	strace s2  }
0x97: {  	_ =	strace $0x8FFFFFFF  }
0x98: {  	s18 =	sld [smem:$0x3FDB];
	_ =	sdelay $0x1  }
0x99: {  	s19 =	simm.s32 $_scs_section_size  }
0x9a: {  	s4 =	simm.s32 $_size__tile_overlayer_lowered;
	s5 =	simm.s32 $_tile_overlayer_lowered  }
0x9b: {  	s22 =	simm.s32 $0x1BFF;
	s21 =	sshll.u32 s5, $0x1;
	s2 =	sadd.s32 s19, s18  }
0x9c: {  	s6 =	simm.s32 $0x0;
	s20 =	sshll.u32 s4, $0x1;
	s4 =	sadd.s32 s21, s2  }
0x9d: {  	[timem:s6], [sflag:s22] =	dma.local [hbm:s4], s20  }
0x9e: {  	_ =	swait.ge [sflag:s22], s20  }
0x9f: {  	s3 =	ssub.s32 $0x0, s20;
	[sflag:s22] =	ssyncset.done $0x0  }
0xa0: {  	[sflag:s22] =	ssyncadd.s32 s3;
	_ =	sdelay $0x1  }
0xa1: {  	s23 =	simm.s32 $0x1B8B  }
0xa2: {  	_ =	swait.ge [sflag:s23], $0x1  }
0xa3: {  	[sflag:s23] =	ssyncset.done $0x0  }
0xa4: {  	s25 =	simm.s32 $0x1B8E;
	s24 =	sld [smem:$0x3FFE];
	[sflag:s23] =	ssyncadd.s32 $0xFFFFFFFF  }
0xa5: {  	s26 =	simm.s32 $execute0_lowered;
	[smem:$0x3FD2] =	sst s25  }
0xa6: {  	s4 =	sshll.u32 s26, $0x1;
	_ =	strace $0x80000046;
	[dreg:$0x1] =	wrdreg $0xFFFFFFFF  }
0xa7: {  	s28 =	simm.s32 $_size_execute0_lowered;
	s2 =	sadd.s32 s2, s4;
	[dreg:$0x0] =	wrdreg $0x0  }
0xa8: {  	s4 =	sshll.u32 s28, $0x1;
	[dreg:$0x2] =	wrdreg s2  }
0xa9: {  	[dreg:$0x3] =	wrdreg s4  }
0xaa: {  	[dreg:$0x4] =	wrdreg $0xC0  }
0xab: {  	_ =	task [dreg:s6], $0x5FFFF  }
0xac: {  	[dreg:$0x1] =	wrdreg $0xFFFFFFFF  }
0xad: {  	[dreg:$0x0] =	wrdreg $0x60  }
0xae: {  	[dreg:$0x2] =	wrdreg s24  }
0xaf: {  	[dreg:$0x3] =	wrdreg $0x9  }
0xb0: {  	_ =	task.clear_ibuf [dreg:s6], $0x4FFFF;
	_ =	strace $0x90000046  }
0xb1: {  	s29 =	simm.s32 $0x9;
	_ =	strace $0x80000048  }
0xb2: {  	_ =	swait.ge [sflag:s29], $0x1  }
0xb3: {  	[sflag:s29] =	ssyncadd.s32 $0xFFFFFFFF  }
0xb4: {  	_ =	strace $0x90000048  }
0xb5: {  	_ =	sfence  }
0xb6: {  	s30 =	sld [smem:$0x0];
	_ =	sdelay $0x2  }
0xb7: {  	s31 =	sshll.u32 s1, $0xD;
	s1 =	sshrl.u32 s1, $0x2  }
0xb8: {  	s3 =	sand.u32 $0x4000, s31;
	s1 =	sadd.s32 s1, s30  }
0xb9: {  	s0 =	sor.u32 s3, s0;
	s1 =	sshll.u32 s1, $0x11  }
0xba: {  	s0 =	sor.u32 s1, s0  }
0xbb: {  	s0 =	sadd.s32 $0x8F2B, s0  }
0xbc: {  	[sflag:s0] =	ssyncadd.remote.s32 $0x1  }
0xbd: {  	_ =	sfence.sel $0xFFFF  }
0xbe: {  	[dreg:$0x0] =	wrdreg $0xFFFFFFFF;
	(pc) =	sbr.abs _section_cstart, $3  }
0xbf: {  	[dreg:$0x1] =	wrdreg $0xFFFFFFFF  }
0xc0: {  	_ =	task.clear_ibuf [dreg:s6], $0x2FFFF;
	_ =	strace $0x9FFFFFFF  }
0xc1: {  	(tm) =	ssettm $0x7FFFFFFF  }
tec
execute0_lowered:
.L_overlay_start_1:
0x0: {  	(tag) =	ssettag $0x1  }
0x1: {  	s0 =	rddreg [dreg:$0x0]  }
0x2: {  	s1 =	srdreg.scid;
	s3 =	stileid.u32  }
0x3: {  	s2 =	simm.s32 $0x0;
	s15 =	simm.s32 $0x2;
	s16 =	simm.s32 $0x1  }
0x4: {  	s17 =	simm.s32 $0x80;
	s23 =	simm.s32 $0x5000;
	s30 =	simm.s32 $0x5800  }
0x5: {  	s24 =	simm.s32 $0x6000;
	s21 =	simm.s32 $0x6800;
	s25 =	simm.s32 $0x7000  }
0x6: {  	s31 =	simm.s32 $0x8000;
	s20 =	simm.s32 $0x0;
	s1 =	sand.u32 $0x1, s1  }
0x7: {  	s3 =	sshll.u32 s3, $0xC;
	s4 =	sshll.u32 s1, $0xB;
	s1 =	ssub.s32 $0x2, s1  }
0x8: {  	[smem:$0x7FF] =	sst s2;
	s18 =	sor.u32 s4, s3;
	s5 =	sshrl.u32 s1, $0x1  }
0x9: {  	_ =	strace $0x80000047;
	s3 =	sshrl.u32 s18, $0x3;
	s1 =	ssub.s32 s1, s5  }
0xa: {  	s4 =	sadd.s32 $0x7F8600, s0;
	s0 =	sadd.s32 s3, s0;
	s14 =	smax.u32 s1, $0x1  }
0xb: {  	v0 =	vlaneseq.u32;
	s3 =	sadd.s32 $0x600, s0;
	s29 =	sadd.s32 $0x2600, s0;
	s7 =	sadd.s32 $0x4600, s0  }
0xc: {  	v1 =	vor.u32 $0x400, v0;
	s8 =	sadd.s32 $0x6600, s0;
	s9 =	sadd.s32 $0x8600, s0;
	s10 =	sadd.s32 $0xA600, s0  }
0xd: {  	v2 =	vor.u32 $0xC00, v0;
	v3 =	vor.u32 $0x1C00, v0;
	v4 =	vor.u32 $0x3C00, v0;
	s11 =	sadd.s32 $0xC600, s0;
	s12 =	sadd.s32 $0xE600, s0;
	[dreg:$0x2] =	wrdreg s3  }
0xe: {  	v5 =	vor.u32 $0x7C00, v0;
	v6 =	vor.u32 $0xFC00, v0;
	v7 =	vor.u32 $0x1FC00, v0;
	s13 =	sadd.s32 $0x10600, s0;
	s0 =	simm.s32 $0x7800;
	[dreg:$0x3] =	wrdreg s29  }
.LBB2_1:
0xf: {  	s1 =	rddreg [dreg:$0x2]  }
0x10: {  	[tilespmem:s2], [sflag:$0x2] =	stream.linear.gather [hbm4b:s1+s2], $0x800, $0x38;
	[tilespmem:$0x8800] =	vst v63  }
0x11: {  	_ =	swait.ge [sflag:s15], $0x800  }
0x12: {  	[sflag:s15] =	ssyncset.done $0x0  }
0x13: {  	[sflag:s15] =	ssyncadd.s32 $0xFFFFF800  }
0x14: {  	v8 =	vld [tilespmem:s2+$0x0];
	_ =	sdelay $0x2  }
0x15: {  	s26 =	sand.u32 $0x3F, s2;
	p0 =	seq.s32 s18, $0x0  }
0x16: {  	s5 =	simm.s32 $0x1;
	s19 =	sshrl.u32 s18, $0xA;
	p1 =	sne.s32 s26, $0x0  }
0x17: {  	s29 =	simm.s32 $0x10;
	s28 =	smov.u32 s18;
	p0 =	por !p1, !p0;
	v8 =	vmul.f32 $2.560000000e+02, v8  }
0x18: {  	s3 =	smov.u32 s18;
	s22 =	simm.s32 $0x0;
	p0 =	por !p0, !p0  }
0x19: {  	s26 =	simm.s32 $0x1;
	s1 =	simm.s32 $0x0;
	s5 =	simm.s32 @!p0 $0x0;
	v8 =	vtrunc.f32 v8  }
.LBB2_2:
0x1a: {  	s5 =	ssub.s32 s19, s5  }
0x1b: {  	v8 =	vcvt.f32.s32 v8;
	s1 =	sadd.s32 $0x10, s1;
	s28 =	sadd.s32 $0x10, s28;
	s19 =	smov.u32 s26  }
0x1c: {  	p0 =	sne.s32 s26, $0x7F;
	s26 =	sadd.s32 $0x1, s26;
	s5 =	smul.u32 $0x3F800, s5  }
0x1d: {  	v9 =	vshll.u32 v8, $0x4;
	v10 =	vshll.u32 v8, $0x7;
	v11 =	vshll.u32 v8, $0x9  }
0x1e: {  	v12 =	vshll.u32 v8, $0x6;
	v13 =	vshll.u32 v8, $0x8;
	s5 =	sadd.s32 s5, s3;
	v10 =	vand.u32 $0xFFFFFC00, v10;
	s3 =	smov.u32 s28  }
0x1f: {  	v14 =	vshll.u32 v8, $0x3;
	v9 =	vand.u32 $0xFFFFFC00, v9;
	v10 =	vadd.s32 s5, v10  }
0x20: {  	v15 =	vshll.u32 v8, $0x2;
	v8 =	vshll.u32 v8, $0x5;
	v9 =	vadd.s32 s5, v9  }
0x21: {  	s6 =	sand.u32 $0x7F0, s22;
	s22 =	smov.u32 s1;
	v14 =	vand.u32 $0xFFFFFC00, v14;
	v9 =	vadd.s32 v2, v9;
	v10 =	vadd.s32 v5, v10  }
0x22: {  	v15 =	vand.u32 $0xFFFFFC00, v15;
	v8 =	vand.u32 $0xFFFFFC00, v8;
	v14 =	vadd.s32 s5, v14;
	[tilespmem:s6+$0x3000] =	vst v10  }
0x23: {  	v8 =	vadd.s32 s5, v8;
	v14 =	vadd.s32 v1, v14;
	v10 =	vadd.s32 s5, v15;
	[tilespmem:s6+$0x1800] =	vst v9  }
0x24: {  	v8 =	vadd.s32 v3, v8;
	v9 =	vadd.s32 v0, v10;
	v10 =	vand.u32 $0xFFFFFC00, v11;
	[tilespmem:s6+$0x1000] =	vst v14  }
0x25: {  	v11 =	vand.u32 $0xFFFFFC00, v13;
	v10 =	vadd.s32 s5, v10;
	[tilespmem:s6+$0x800] =	vst v9;
	v9 =	vand.u32 $0xFFFFFC00, v12  }
0x26: {  	v10 =	vadd.s32 v7, v10;
	[tilespmem:s6+$0x2000] =	vst v8;
	v8 =	vadd.s32 s5, v9;
	v9 =	vadd.s32 s5, v11  }
0x27: {  	v8 =	vadd.s32 v4, v8;
	v9 =	vadd.s32 v6, v9;
	[tilespmem:s6+$0x4000] =	vst v10  }
0x28: {  	[tilespmem:s6+$0x2800] =	vst v8  }
0x29: {  	[tilespmem:s6+$0x3800] =	vst v9  }
0x2a: {  	v8 =	vld [tilespmem:s29+$0x0];
	_ =	sdelay $0x2  }
.Ltmp0:
0x2b: {  	s5 =	sand.u32 $0x3F, s19;
	(pc) =	sbr.rel @p0 .LBB2_2-.Ltmp0, $4  }
0x2c: {  	p1 =	seq.s32 s28, $0x0;
	p2 =	sne.s32 s5, $0x0  }
0x2d: {  	p1 =	por !p2, !p1;
	v8 =	vmul.f32 $2.560000000e+02, v8  }
0x2e: {  	s5 =	simm.s32 $0x1;
	p1 =	por !p1, !p1  }
0x2f: {  	s19 =	sshrl.u32 s28, $0xA;
	s5 =	simm.s32 @!p1 $0x0;
	s29 =	sadd.s32 $0x10, s29;
	v8 =	vtrunc.f32 v8  }
0x30: {  	v8 =	vcvt.f32.s32 v8  }
0x31: {  	s1 =	ssub.s32 s19, s5  }
0x32: {  	s1 =	smul.u32 $0x3F800, s1;
	v9 =	vshll.u32 v8, $0x4;
	v10 =	vshll.u32 v8, $0x7  }
0x33: {  	v11 =	vshll.u32 v8, $0x9;
	v12 =	vshll.u32 v8, $0x6;
	v13 =	vshll.u32 v8, $0x8  }
0x34: {  	v14 =	vshll.u32 v8, $0x3;
	v15 =	vshll.u32 v8, $0x2;
	v10 =	vand.u32 $0xFFFFFC00, v10;
	s1 =	sadd.s32 s1, s3  }
0x35: {  	v8 =	vshll.u32 v8, $0x5;
	v9 =	vand.u32 $0xFFFFFC00, v9;
	v10 =	vadd.s32 s1, v10  }
0x36: {  	s29 =	sand.u32 $0x7F0, s22;
	v14 =	vand.u32 $0xFFFFFC00, v14;
	v9 =	vadd.s32 s1, v9;
	v10 =	vadd.s32 v5, v10  }
0x37: {  	v15 =	vand.u32 $0xFFFFFC00, v15;
	v14 =	vadd.s32 s1, v14;
	v9 =	vadd.s32 v2, v9;
	[tilespmem:s29+$0x3000] =	vst v10  }
0x38: {  	v8 =	vand.u32 $0xFFFFFC00, v8;
	v56 =	vadd.s32 s1, v15;
	v14 =	vadd.s32 v1, v14;
	[tilespmem:s29+$0x1800] =	vst v9  }
0x39: {  	v60 =	vand.u32 $0xFFFFFC00, v13;
	v8 =	vadd.s32 s1, v8;
	v57 =	vadd.s32 v0, v56;
	[tilespmem:s29+$0x1000] =	vst v14  }
0x3a: {  	v58 =	vand.u32 $0xFFFFFC00, v11;
	v62 =	vadd.s32 s1, v60;
	v8 =	vadd.s32 v3, v8;
	[tilespmem:s29+$0x800] =	vst v57  }
0x3b: {  	v59 =	vand.u32 $0xFFFFFC00, v12;
	v63 =	vadd.s32 v6, v62;
	v10 =	vadd.s32 s1, v58;
	[tilespmem:s29+$0x2000] =	vst v8  }
0x3c: {  	v8 =	vadd.s32 s1, v59;
	[tilespmem:s29+$0x3800] =	vst v63;
	v61 =	vadd.s32 v7, v10  }
0x3d: {  	v8 =	vadd.s32 v4, v8;
	[tilespmem:s29+$0x4000] =	vst v61  }
0x3e: {  	s5 =	simm.s32 $0x800;
	s3 =	simm.s32 $0x4800;
	[tilespmem:s29+$0x2800] =	vst v8  }
0x3f: {  	[tilespmem:s3], [sflag:$0x1] =	stream.indirect.gather [hbm4b:s4+s17], $0x1, s5, s17, $0xb8;
	[tilespmem:$0x8800] =	vst v63  }
0x40: {  	s6 =	simm.s32 $0x880;
	s19 =	simm.s32 $0x4880  }
0x41: {  	[tilespmem:s19], [sflag:$0x1] =	stream.indirect.gather [hbm4b:s4+s17], $0x1, s6, s17, $0xb8;
	[tilespmem:$0x8800] =	vst v63  }
0x42: {  	s22 =	simm.s32 $0x900;
	s26 =	simm.s32 $0x4900  }
0x43: {  	[tilespmem:s26], [sflag:$0x1] =	stream.indirect.gather [hbm4b:s4+s17], $0x1, s22, s17, $0xb8;
	[tilespmem:$0x8800] =	vst v63  }
0x44: {  	s28 =	simm.s32 $0x980;
	s29 =	simm.s32 $0x4980  }
0x45: {  	[tilespmem:s29], [sflag:$0x1] =	stream.indirect.gather [hbm4b:s4+s17], $0x1, s28, s17, $0xb8;
	[tilespmem:$0x8800] =	vst v63  }
0x46: {  	s6 =	simm.s32 $0xA00;
	s19 =	simm.s32 $0x4A00  }
0x47: {  	[tilespmem:s19], [sflag:$0x1] =	stream.indirect.gather [hbm4b:s4+s17], $0x1, s6, s17, $0xb8;
	[tilespmem:$0x8800] =	vst v63  }
0x48: {  	s22 =	simm.s32 $0xA80;
	s26 =	simm.s32 $0x4A80  }
0x49: {  	[tilespmem:s26], [sflag:$0x1] =	stream.indirect.gather [hbm4b:s4+s17], $0x1, s22, s17, $0xb8;
	[tilespmem:$0x8800] =	vst v63  }
0x4a: {  	s28 =	simm.s32 $0xB00;
	s29 =	simm.s32 $0x4B00  }
0x4b: {  	[tilespmem:s29], [sflag:$0x1] =	stream.indirect.gather [hbm4b:s4+s17], $0x1, s28, s17, $0xb8;
	[tilespmem:$0x8800] =	vst v63  }
0x4c: {  	s6 =	simm.s32 $0xB80;
	s19 =	simm.s32 $0x4B80  }
0x4d: {  	[tilespmem:s19], [sflag:$0x1] =	stream.indirect.gather [hbm4b:s4+s17], $0x1, s6, s17, $0xb8;
	[tilespmem:$0x8800] =	vst v63  }
0x4e: {  	s22 =	simm.s32 $0xC00;
	s26 =	simm.s32 $0x4C00  }
0x4f: {  	[tilespmem:s26], [sflag:$0x1] =	stream.indirect.gather [hbm4b:s4+s17], $0x1, s22, s17, $0xb8;
	[tilespmem:$0x8800] =	vst v63  }
0x50: {  	s28 =	simm.s32 $0xC80;
	s29 =	simm.s32 $0x4C80  }
0x51: {  	[tilespmem:s29], [sflag:$0x1] =	stream.indirect.gather [hbm4b:s4+s17], $0x1, s28, s17, $0xb8;
	[tilespmem:$0x8800] =	vst v63  }
0x52: {  	s6 =	simm.s32 $0xD00;
	s19 =	simm.s32 $0x4D00  }
0x53: {  	[tilespmem:s19], [sflag:$0x1] =	stream.indirect.gather [hbm4b:s4+s17], $0x1, s6, s17, $0xb8;
	[tilespmem:$0x8800] =	vst v63  }
0x54: {  	s22 =	simm.s32 $0xD80;
	s26 =	simm.s32 $0x4D80  }
0x55: {  	[tilespmem:s26], [sflag:$0x1] =	stream.indirect.gather [hbm4b:s4+s17], $0x1, s22, s17, $0xb8;
	[tilespmem:$0x8800] =	vst v63  }
0x56: {  	s28 =	simm.s32 $0xE00;
	s29 =	simm.s32 $0x4E00  }
0x57: {  	[tilespmem:s29], [sflag:$0x1] =	stream.indirect.gather [hbm4b:s4+s17], $0x1, s28, s17, $0xb8;
	[tilespmem:$0x8800] =	vst v63  }
0x58: {  	s6 =	simm.s32 $0xE80;
	s19 =	simm.s32 $0x4E80  }
0x59: {  	[tilespmem:s19], [sflag:$0x1] =	stream.indirect.gather [hbm4b:s4+s17], $0x1, s6, s17, $0xb8;
	[tilespmem:$0x8800] =	vst v63  }
0x5a: {  	s22 =	simm.s32 $0xF00;
	s26 =	simm.s32 $0x4F00  }
0x5b: {  	[tilespmem:s26], [sflag:$0x1] =	stream.indirect.gather [hbm4b:s4+s17], $0x1, s22, s17, $0xb8;
	[tilespmem:$0x8800] =	vst v63  }
0x5c: {  	s28 =	simm.s32 $0xF80;
	s29 =	simm.s32 $0x4F80  }
0x5d: {  	[tilespmem:s29], [sflag:$0x1] =	stream.indirect.gather [hbm4b:s4+s17], $0x1, s28, s17, $0xb8;
	[tilespmem:$0x8800] =	vst v63  }
0x5e: {  	s5 =	simm.s32 $0x1000  }
0x5f: {  	[tilespmem:s23], [sflag:$0x1] =	stream.indirect.gather [hbm4b:s4+s17], $0x1, s5, s17, $0xb8;
	[tilespmem:$0x8800] =	vst v63  }
0x60: {  	s6 =	simm.s32 $0x1080;
	s19 =	simm.s32 $0x5080  }
0x61: {  	[tilespmem:s19], [sflag:$0x1] =	stream.indirect.gather [hbm4b:s4+s17], $0x1, s6, s17, $0xb8;
	[tilespmem:$0x8800] =	vst v63  }
0x62: {  	s22 =	simm.s32 $0x1100;
	s26 =	simm.s32 $0x5100  }
0x63: {  	[tilespmem:s26], [sflag:$0x1] =	stream.indirect.gather [hbm4b:s4+s17], $0x1, s22, s17, $0xb8;
	[tilespmem:$0x8800] =	vst v63  }
0x64: {  	s28 =	simm.s32 $0x1180;
	s29 =	simm.s32 $0x5180  }
0x65: {  	[tilespmem:s29], [sflag:$0x1] =	stream.indirect.gather [hbm4b:s4+s17], $0x1, s28, s17, $0xb8;
	[tilespmem:$0x8800] =	vst v63  }
0x66: {  	s6 =	simm.s32 $0x1200;
	s19 =	simm.s32 $0x5200  }
0x67: {  	[tilespmem:s19], [sflag:$0x1] =	stream.indirect.gather [hbm4b:s4+s17], $0x1, s6, s17, $0xb8;
	[tilespmem:$0x8800] =	vst v63  }
0x68: {  	s22 =	simm.s32 $0x1280;
	s26 =	simm.s32 $0x5280  }
0x69: {  	[tilespmem:s26], [sflag:$0x1] =	stream.indirect.gather [hbm4b:s4+s17], $0x1, s22, s17, $0xb8;
	[tilespmem:$0x8800] =	vst v63  }
0x6a: {  	s28 =	simm.s32 $0x1300;
	s29 =	simm.s32 $0x5300  }
0x6b: {  	[tilespmem:s29], [sflag:$0x1] =	stream.indirect.gather [hbm4b:s4+s17], $0x1, s28, s17, $0xb8;
	[tilespmem:$0x8800] =	vst v63  }
0x6c: {  	s6 =	simm.s32 $0x1380;
	s19 =	simm.s32 $0x5380  }
0x6d: {  	[tilespmem:s19], [sflag:$0x1] =	stream.indirect.gather [hbm4b:s4+s17], $0x1, s6, s17, $0xb8;
	[tilespmem:$0x8800] =	vst v63  }
0x6e: {  	s22 =	simm.s32 $0x1400;
	s26 =	simm.s32 $0x5400  }
0x6f: {  	[tilespmem:s26], [sflag:$0x1] =	stream.indirect.gather [hbm4b:s4+s17], $0x1, s22, s17, $0xb8;
	[tilespmem:$0x8800] =	vst v63  }
0x70: {  	s28 =	simm.s32 $0x1480;
	s29 =	simm.s32 $0x5480  }
0x71: {  	[tilespmem:s29], [sflag:$0x1] =	stream.indirect.gather [hbm4b:s4+s17], $0x1, s28, s17, $0xb8;
	[tilespmem:$0x8800] =	vst v63  }
0x72: {  	s6 =	simm.s32 $0x1500;
	s19 =	simm.s32 $0x5500  }
0x73: {  	[tilespmem:s19], [sflag:$0x1] =	stream.indirect.gather [hbm4b:s4+s17], $0x1, s6, s17, $0xb8;
	[tilespmem:$0x8800] =	vst v63  }
0x74: {  	s22 =	simm.s32 $0x1580;
	s26 =	simm.s32 $0x5580  }
0x75: {  	[tilespmem:s26], [sflag:$0x1] =	stream.indirect.gather [hbm4b:s4+s17], $0x1, s22, s17, $0xb8;
	[tilespmem:$0x8800] =	vst v63  }
0x76: {  	s28 =	simm.s32 $0x1600;
	s29 =	simm.s32 $0x5600  }
0x77: {  	[tilespmem:s29], [sflag:$0x1] =	stream.indirect.gather [hbm4b:s4+s17], $0x1, s28, s17, $0xb8;
	[tilespmem:$0x8800] =	vst v63  }
0x78: {  	s6 =	simm.s32 $0x1680;
	s19 =	simm.s32 $0x5680  }
0x79: {  	[tilespmem:s19], [sflag:$0x1] =	stream.indirect.gather [hbm4b:s4+s17], $0x1, s6, s17, $0xb8;
	[tilespmem:$0x8800] =	vst v63  }
0x7a: {  	s22 =	simm.s32 $0x1700;
	s26 =	simm.s32 $0x5700  }
0x7b: {  	[tilespmem:s26], [sflag:$0x1] =	stream.indirect.gather [hbm4b:s4+s17], $0x1, s22, s17, $0xb8;
	[tilespmem:$0x8800] =	vst v63  }
0x7c: {  	s28 =	simm.s32 $0x1780;
	s29 =	simm.s32 $0x5780  }
0x7d: {  	[tilespmem:s29], [sflag:$0x1] =	stream.indirect.gather [hbm4b:s4+s17], $0x1, s28, s17, $0xb8;
	[tilespmem:$0x8800] =	vst v63  }
0x7e: {  	s5 =	simm.s32 $0x1800  }
0x7f: {  	[tilespmem:s30], [sflag:$0x1] =	stream.indirect.gather [hbm4b:s4+s17], $0x1, s5, s17, $0xb8;
	[tilespmem:$0x8800] =	vst v63  }
0x80: {  	s6 =	simm.s32 $0x1880;
	s19 =	simm.s32 $0x5880  }
0x81: {  	[tilespmem:s19], [sflag:$0x1] =	stream.indirect.gather [hbm4b:s4+s17], $0x1, s6, s17, $0xb8;
	[tilespmem:$0x8800] =	vst v63  }
0x82: {  	s22 =	simm.s32 $0x1900;
	s26 =	simm.s32 $0x5900  }
0x83: {  	[tilespmem:s26], [sflag:$0x1] =	stream.indirect.gather [hbm4b:s4+s17], $0x1, s22, s17, $0xb8;
	[tilespmem:$0x8800] =	vst v63  }
0x84: {  	s28 =	simm.s32 $0x1980;
	s29 =	simm.s32 $0x5980  }
0x85: {  	[tilespmem:s29], [sflag:$0x1] =	stream.indirect.gather [hbm4b:s4+s17], $0x1, s28, s17, $0xb8;
	[tilespmem:$0x8800] =	vst v63  }
0x86: {  	s6 =	simm.s32 $0x1A00;
	s19 =	simm.s32 $0x5A00  }
0x87: {  	[tilespmem:s19], [sflag:$0x1] =	stream.indirect.gather [hbm4b:s4+s17], $0x1, s6, s17, $0xb8;
	[tilespmem:$0x8800] =	vst v63  }
0x88: {  	s22 =	simm.s32 $0x1A80;
	s26 =	simm.s32 $0x5A80  }
0x89: {  	[tilespmem:s26], [sflag:$0x1] =	stream.indirect.gather [hbm4b:s4+s17], $0x1, s22, s17, $0xb8;
	[tilespmem:$0x8800] =	vst v63  }
0x8a: {  	s28 =	simm.s32 $0x1B00;
	s29 =	simm.s32 $0x5B00  }
0x8b: {  	[tilespmem:s29], [sflag:$0x1] =	stream.indirect.gather [hbm4b:s4+s17], $0x1, s28, s17, $0xb8;
	[tilespmem:$0x8800] =	vst v63  }
0x8c: {  	s6 =	simm.s32 $0x1B80;
	s19 =	simm.s32 $0x5B80  }
0x8d: {  	[tilespmem:s19], [sflag:$0x1] =	stream.indirect.gather [hbm4b:s4+s17], $0x1, s6, s17, $0xb8;
	[tilespmem:$0x8800] =	vst v63  }
0x8e: {  	s22 =	simm.s32 $0x1C00;
	s26 =	simm.s32 $0x5C00  }
0x8f: {  	[tilespmem:s26], [sflag:$0x1] =	stream.indirect.gather [hbm4b:s4+s17], $0x1, s22, s17, $0xb8;
	[tilespmem:$0x8800] =	vst v63  }
0x90: {  	s28 =	simm.s32 $0x1C80;
	s29 =	simm.s32 $0x5C80  }
0x91: {  	[tilespmem:s29], [sflag:$0x1] =	stream.indirect.gather [hbm4b:s4+s17], $0x1, s28, s17, $0xb8;
	[tilespmem:$0x8800] =	vst v63  }
0x92: {  	s6 =	simm.s32 $0x1D00;
	s19 =	simm.s32 $0x5D00  }
0x93: {  	[tilespmem:s19], [sflag:$0x1] =	stream.indirect.gather [hbm4b:s4+s17], $0x1, s6, s17, $0xb8;
	[tilespmem:$0x8800] =	vst v63  }
0x94: {  	s22 =	simm.s32 $0x1D80;
	s26 =	simm.s32 $0x5D80  }
0x95: {  	[tilespmem:s26], [sflag:$0x1] =	stream.indirect.gather [hbm4b:s4+s17], $0x1, s22, s17, $0xb8;
	[tilespmem:$0x8800] =	vst v63  }
0x96: {  	s28 =	simm.s32 $0x1E00;
	s29 =	simm.s32 $0x5E00  }
0x97: {  	[tilespmem:s29], [sflag:$0x1] =	stream.indirect.gather [hbm4b:s4+s17], $0x1, s28, s17, $0xb8;
	[tilespmem:$0x8800] =	vst v63  }
0x98: {  	s6 =	simm.s32 $0x1E80;
	s19 =	simm.s32 $0x5E80  }
0x99: {  	[tilespmem:s19], [sflag:$0x1] =	stream.indirect.gather [hbm4b:s4+s17], $0x1, s6, s17, $0xb8;
	[tilespmem:$0x8800] =	vst v63  }
0x9a: {  	s22 =	simm.s32 $0x1F00;
	s26 =	simm.s32 $0x5F00  }
0x9b: {  	[tilespmem:s26], [sflag:$0x1] =	stream.indirect.gather [hbm4b:s4+s17], $0x1, s22, s17, $0xb8;
	[tilespmem:$0x8800] =	vst v63  }
0x9c: {  	s28 =	simm.s32 $0x1F80;
	s29 =	simm.s32 $0x5F80  }
0x9d: {  	[tilespmem:s29], [sflag:$0x1] =	stream.indirect.gather [hbm4b:s4+s17], $0x1, s28, s17, $0xb8;
	[tilespmem:$0x8800] =	vst v63  }
0x9e: {  	s5 =	simm.s32 $0x2000  }
0x9f: {  	[tilespmem:s24], [sflag:$0x1] =	stream.indirect.gather [hbm4b:s4+s17], $0x1, s5, s17, $0xb8;
	[tilespmem:$0x8800] =	vst v63  }
0xa0: {  	s6 =	simm.s32 $0x2080;
	s19 =	simm.s32 $0x6080  }
0xa1: {  	[tilespmem:s19], [sflag:$0x1] =	stream.indirect.gather [hbm4b:s4+s17], $0x1, s6, s17, $0xb8;
	[tilespmem:$0x8800] =	vst v63  }
0xa2: {  	s22 =	simm.s32 $0x2100;
	s26 =	simm.s32 $0x6100  }
0xa3: {  	[tilespmem:s26], [sflag:$0x1] =	stream.indirect.gather [hbm4b:s4+s17], $0x1, s22, s17, $0xb8;
	[tilespmem:$0x8800] =	vst v63  }
0xa4: {  	s28 =	simm.s32 $0x2180;
	s29 =	simm.s32 $0x6180  }
0xa5: {  	[tilespmem:s29], [sflag:$0x1] =	stream.indirect.gather [hbm4b:s4+s17], $0x1, s28, s17, $0xb8;
	[tilespmem:$0x8800] =	vst v63  }
0xa6: {  	s6 =	simm.s32 $0x2200;
	s19 =	simm.s32 $0x6200  }
0xa7: {  	[tilespmem:s19], [sflag:$0x1] =	stream.indirect.gather [hbm4b:s4+s17], $0x1, s6, s17, $0xb8;
	[tilespmem:$0x8800] =	vst v63  }
0xa8: {  	s22 =	simm.s32 $0x2280;
	s26 =	simm.s32 $0x6280  }
0xa9: {  	[tilespmem:s26], [sflag:$0x1] =	stream.indirect.gather [hbm4b:s4+s17], $0x1, s22, s17, $0xb8;
	[tilespmem:$0x8800] =	vst v63  }
0xaa: {  	s28 =	simm.s32 $0x2300;
	s29 =	simm.s32 $0x6300  }
0xab: {  	[tilespmem:s29], [sflag:$0x1] =	stream.indirect.gather [hbm4b:s4+s17], $0x1, s28, s17, $0xb8;
	[tilespmem:$0x8800] =	vst v63  }
0xac: {  	s6 =	simm.s32 $0x2380;
	s19 =	simm.s32 $0x6380  }
0xad: {  	[tilespmem:s19], [sflag:$0x1] =	stream.indirect.gather [hbm4b:s4+s17], $0x1, s6, s17, $0xb8;
	[tilespmem:$0x8800] =	vst v63  }
0xae: {  	s22 =	simm.s32 $0x2400;
	s26 =	simm.s32 $0x6400  }
0xaf: {  	[tilespmem:s26], [sflag:$0x1] =	stream.indirect.gather [hbm4b:s4+s17], $0x1, s22, s17, $0xb8;
	[tilespmem:$0x8800] =	vst v63  }
0xb0: {  	s28 =	simm.s32 $0x2480;
	s29 =	simm.s32 $0x6480  }
0xb1: {  	[tilespmem:s29], [sflag:$0x1] =	stream.indirect.gather [hbm4b:s4+s17], $0x1, s28, s17, $0xb8;
	[tilespmem:$0x8800] =	vst v63  }
0xb2: {  	s6 =	simm.s32 $0x2500;
	s19 =	simm.s32 $0x6500  }
0xb3: {  	[tilespmem:s19], [sflag:$0x1] =	stream.indirect.gather [hbm4b:s4+s17], $0x1, s6, s17, $0xb8;
	[tilespmem:$0x8800] =	vst v63  }
0xb4: {  	s22 =	simm.s32 $0x2580;
	s26 =	simm.s32 $0x6580  }
0xb5: {  	[tilespmem:s26], [sflag:$0x1] =	stream.indirect.gather [hbm4b:s4+s17], $0x1, s22, s17, $0xb8;
	[tilespmem:$0x8800] =	vst v63  }
0xb6: {  	s28 =	simm.s32 $0x2600;
	s29 =	simm.s32 $0x6600  }
0xb7: {  	[tilespmem:s29], [sflag:$0x1] =	stream.indirect.gather [hbm4b:s4+s17], $0x1, s28, s17, $0xb8;
	[tilespmem:$0x8800] =	vst v63  }
0xb8: {  	s6 =	simm.s32 $0x2680;
	s19 =	simm.s32 $0x6680  }
0xb9: {  	[tilespmem:s19], [sflag:$0x1] =	stream.indirect.gather [hbm4b:s4+s17], $0x1, s6, s17, $0xb8;
	[tilespmem:$0x8800] =	vst v63  }
0xba: {  	s22 =	simm.s32 $0x2700;
	s26 =	simm.s32 $0x6700  }
0xbb: {  	[tilespmem:s26], [sflag:$0x1] =	stream.indirect.gather [hbm4b:s4+s17], $0x1, s22, s17, $0xb8;
	[tilespmem:$0x8800] =	vst v63  }
0xbc: {  	s28 =	simm.s32 $0x2780;
	s29 =	simm.s32 $0x6780  }
0xbd: {  	[tilespmem:s29], [sflag:$0x1] =	stream.indirect.gather [hbm4b:s4+s17], $0x1, s28, s17, $0xb8;
	[tilespmem:$0x8800] =	vst v63  }
0xbe: {  	s5 =	simm.s32 $0x2800  }
0xbf: {  	[tilespmem:s21], [sflag:$0x1] =	stream.indirect.gather [hbm4b:s4+s17], $0x1, s5, s17, $0xb8;
	[tilespmem:$0x8800] =	vst v63  }
0xc0: {  	s6 =	simm.s32 $0x2880;
	s19 =	simm.s32 $0x6880  }
0xc1: {  	[tilespmem:s19], [sflag:$0x1] =	stream.indirect.gather [hbm4b:s4+s17], $0x1, s6, s17, $0xb8;
	[tilespmem:$0x8800] =	vst v63  }
0xc2: {  	s22 =	simm.s32 $0x2900;
	s26 =	simm.s32 $0x6900  }
0xc3: {  	[tilespmem:s26], [sflag:$0x1] =	stream.indirect.gather [hbm4b:s4+s17], $0x1, s22, s17, $0xb8;
	[tilespmem:$0x8800] =	vst v63  }
0xc4: {  	s28 =	simm.s32 $0x2980;
	s29 =	simm.s32 $0x6980  }
0xc5: {  	[tilespmem:s29], [sflag:$0x1] =	stream.indirect.gather [hbm4b:s4+s17], $0x1, s28, s17, $0xb8;
	[tilespmem:$0x8800] =	vst v63  }
0xc6: {  	s6 =	simm.s32 $0x2A00;
	s19 =	simm.s32 $0x6A00  }
0xc7: {  	[tilespmem:s19], [sflag:$0x1] =	stream.indirect.gather [hbm4b:s4+s17], $0x1, s6, s17, $0xb8;
	[tilespmem:$0x8800] =	vst v63  }
0xc8: {  	s22 =	simm.s32 $0x2A80;
	s26 =	simm.s32 $0x6A80  }
0xc9: {  	[tilespmem:s26], [sflag:$0x1] =	stream.indirect.gather [hbm4b:s4+s17], $0x1, s22, s17, $0xb8;
	[tilespmem:$0x8800] =	vst v63  }
0xca: {  	s28 =	simm.s32 $0x2B00;
	s29 =	simm.s32 $0x6B00  }
0xcb: {  	[tilespmem:s29], [sflag:$0x1] =	stream.indirect.gather [hbm4b:s4+s17], $0x1, s28, s17, $0xb8;
	[tilespmem:$0x8800] =	vst v63  }
0xcc: {  	s6 =	simm.s32 $0x2B80;
	s19 =	simm.s32 $0x6B80  }
0xcd: {  	[tilespmem:s19], [sflag:$0x1] =	stream.indirect.gather [hbm4b:s4+s17], $0x1, s6, s17, $0xb8;
	[tilespmem:$0x8800] =	vst v63  }
0xce: {  	s22 =	simm.s32 $0x2C00;
	s26 =	simm.s32 $0x6C00  }
0xcf: {  	[tilespmem:s26], [sflag:$0x1] =	stream.indirect.gather [hbm4b:s4+s17], $0x1, s22, s17, $0xb8;
	[tilespmem:$0x8800] =	vst v63  }
0xd0: {  	s28 =	simm.s32 $0x2C80;
	s29 =	simm.s32 $0x6C80  }
0xd1: {  	[tilespmem:s29], [sflag:$0x1] =	stream.indirect.gather [hbm4b:s4+s17], $0x1, s28, s17, $0xb8;
	[tilespmem:$0x8800] =	vst v63  }
0xd2: {  	s6 =	simm.s32 $0x2D00;
	s19 =	simm.s32 $0x6D00  }
0xd3: {  	[tilespmem:s19], [sflag:$0x1] =	stream.indirect.gather [hbm4b:s4+s17], $0x1, s6, s17, $0xb8;
	[tilespmem:$0x8800] =	vst v63  }
0xd4: {  	s22 =	simm.s32 $0x2D80;
	s26 =	simm.s32 $0x6D80  }
0xd5: {  	[tilespmem:s26], [sflag:$0x1] =	stream.indirect.gather [hbm4b:s4+s17], $0x1, s22, s17, $0xb8;
	[tilespmem:$0x8800] =	vst v63  }
0xd6: {  	s28 =	simm.s32 $0x2E00;
	s29 =	simm.s32 $0x6E00  }
0xd7: {  	[tilespmem:s29], [sflag:$0x1] =	stream.indirect.gather [hbm4b:s4+s17], $0x1, s28, s17, $0xb8;
	[tilespmem:$0x8800] =	vst v63  }
0xd8: {  	s6 =	simm.s32 $0x2E80;
	s19 =	simm.s32 $0x6E80  }
0xd9: {  	[tilespmem:s19], [sflag:$0x1] =	stream.indirect.gather [hbm4b:s4+s17], $0x1, s6, s17, $0xb8;
	[tilespmem:$0x8800] =	vst v63  }
0xda: {  	s22 =	simm.s32 $0x2F00;
	s26 =	simm.s32 $0x6F00  }
0xdb: {  	[tilespmem:s26], [sflag:$0x1] =	stream.indirect.gather [hbm4b:s4+s17], $0x1, s22, s17, $0xb8;
	[tilespmem:$0x8800] =	vst v63  }
0xdc: {  	s28 =	simm.s32 $0x2F80;
	s29 =	simm.s32 $0x6F80  }
0xdd: {  	[tilespmem:s29], [sflag:$0x1] =	stream.indirect.gather [hbm4b:s4+s17], $0x1, s28, s17, $0xb8;
	[tilespmem:$0x8800] =	vst v63  }
0xde: {  	s5 =	simm.s32 $0x3000  }
0xdf: {  	[tilespmem:s25], [sflag:$0x1] =	stream.indirect.gather [hbm4b:s4+s17], $0x1, s5, s17, $0xb8;
	[tilespmem:$0x8800] =	vst v63  }
0xe0: {  	s6 =	simm.s32 $0x3080;
	s19 =	simm.s32 $0x7080  }
0xe1: {  	[tilespmem:s19], [sflag:$0x1] =	stream.indirect.gather [hbm4b:s4+s17], $0x1, s6, s17, $0xb8;
	[tilespmem:$0x8800] =	vst v63  }
0xe2: {  	s22 =	simm.s32 $0x3100;
	s26 =	simm.s32 $0x7100  }
0xe3: {  	[tilespmem:s26], [sflag:$0x1] =	stream.indirect.gather [hbm4b:s4+s17], $0x1, s22, s17, $0xb8;
	[tilespmem:$0x8800] =	vst v63  }
0xe4: {  	s28 =	simm.s32 $0x3180;
	s29 =	simm.s32 $0x7180  }
0xe5: {  	[tilespmem:s29], [sflag:$0x1] =	stream.indirect.gather [hbm4b:s4+s17], $0x1, s28, s17, $0xb8;
	[tilespmem:$0x8800] =	vst v63  }
0xe6: {  	s6 =	simm.s32 $0x3200;
	s19 =	simm.s32 $0x7200  }
0xe7: {  	[tilespmem:s19], [sflag:$0x1] =	stream.indirect.gather [hbm4b:s4+s17], $0x1, s6, s17, $0xb8;
	[tilespmem:$0x8800] =	vst v63  }
0xe8: {  	s22 =	simm.s32 $0x3280;
	s26 =	simm.s32 $0x7280  }
0xe9: {  	[tilespmem:s26], [sflag:$0x1] =	stream.indirect.gather [hbm4b:s4+s17], $0x1, s22, s17, $0xb8;
	[tilespmem:$0x8800] =	vst v63  }
0xea: {  	s28 =	simm.s32 $0x3300;
	s29 =	simm.s32 $0x7300  }
0xeb: {  	[tilespmem:s29], [sflag:$0x1] =	stream.indirect.gather [hbm4b:s4+s17], $0x1, s28, s17, $0xb8;
	[tilespmem:$0x8800] =	vst v63  }
0xec: {  	s6 =	simm.s32 $0x3380;
	s19 =	simm.s32 $0x7380  }
0xed: {  	[tilespmem:s19], [sflag:$0x1] =	stream.indirect.gather [hbm4b:s4+s17], $0x1, s6, s17, $0xb8;
	[tilespmem:$0x8800] =	vst v63  }
0xee: {  	s22 =	simm.s32 $0x3400;
	s26 =	simm.s32 $0x7400  }
0xef: {  	[tilespmem:s26], [sflag:$0x1] =	stream.indirect.gather [hbm4b:s4+s17], $0x1, s22, s17, $0xb8;
	[tilespmem:$0x8800] =	vst v63  }
0xf0: {  	s28 =	simm.s32 $0x3480;
	s29 =	simm.s32 $0x7480  }
0xf1: {  	[tilespmem:s29], [sflag:$0x1] =	stream.indirect.gather [hbm4b:s4+s17], $0x1, s28, s17, $0xb8;
	[tilespmem:$0x8800] =	vst v63  }
0xf2: {  	s6 =	simm.s32 $0x3500;
	s19 =	simm.s32 $0x7500  }
0xf3: {  	[tilespmem:s19], [sflag:$0x1] =	stream.indirect.gather [hbm4b:s4+s17], $0x1, s6, s17, $0xb8;
	[tilespmem:$0x8800] =	vst v63  }
0xf4: {  	s22 =	simm.s32 $0x3580;
	s26 =	simm.s32 $0x7580  }
0xf5: {  	[tilespmem:s26], [sflag:$0x1] =	stream.indirect.gather [hbm4b:s4+s17], $0x1, s22, s17, $0xb8;
	[tilespmem:$0x8800] =	vst v63  }
0xf6: {  	s28 =	simm.s32 $0x3600;
	s29 =	simm.s32 $0x7600  }
0xf7: {  	[tilespmem:s29], [sflag:$0x1] =	stream.indirect.gather [hbm4b:s4+s17], $0x1, s28, s17, $0xb8;
	[tilespmem:$0x8800] =	vst v63  }
0xf8: {  	s6 =	simm.s32 $0x3680;
	s19 =	simm.s32 $0x7680  }
0xf9: {  	[tilespmem:s19], [sflag:$0x1] =	stream.indirect.gather [hbm4b:s4+s17], $0x1, s6, s17, $0xb8;
	[tilespmem:$0x8800] =	vst v63  }
0xfa: {  	s22 =	simm.s32 $0x3700;
	s26 =	simm.s32 $0x7700  }
0xfb: {  	[tilespmem:s26], [sflag:$0x1] =	stream.indirect.gather [hbm4b:s4+s17], $0x1, s22, s17, $0xb8;
	[tilespmem:$0x8800] =	vst v63  }
0xfc: {  	s28 =	simm.s32 $0x3780;
	s29 =	simm.s32 $0x7780  }
0xfd: {  	[tilespmem:s29], [sflag:$0x1] =	stream.indirect.gather [hbm4b:s4+s17], $0x1, s28, s17, $0xb8;
	[tilespmem:$0x8800] =	vst v63  }
0xfe: {  	s5 =	simm.s32 $0x3800  }
0xff: {  	[tilespmem:s0], [sflag:$0x1] =	stream.indirect.gather [hbm4b:s4+s17], $0x1, s5, s17, $0xb8;
	[tilespmem:$0x8800] =	vst v63  }
0x100: {  	s6 =	simm.s32 $0x3880;
	s19 =	simm.s32 $0x7880  }
0x101: {  	[tilespmem:s19], [sflag:$0x1] =	stream.indirect.gather [hbm4b:s4+s17], $0x1, s6, s17, $0xb8;
	[tilespmem:$0x8800] =	vst v63  }
0x102: {  	s22 =	simm.s32 $0x3900;
	s26 =	simm.s32 $0x7900  }
0x103: {  	[tilespmem:s26], [sflag:$0x1] =	stream.indirect.gather [hbm4b:s4+s17], $0x1, s22, s17, $0xb8;
	[tilespmem:$0x8800] =	vst v63  }
0x104: {  	s28 =	simm.s32 $0x3980;
	s29 =	simm.s32 $0x7980  }
0x105: {  	[tilespmem:s29], [sflag:$0x1] =	stream.indirect.gather [hbm4b:s4+s17], $0x1, s28, s17, $0xb8;
	[tilespmem:$0x8800] =	vst v63  }
0x106: {  	s6 =	simm.s32 $0x3A00;
	s19 =	simm.s32 $0x7A00  }
0x107: {  	[tilespmem:s19], [sflag:$0x1] =	stream.indirect.gather [hbm4b:s4+s17], $0x1, s6, s17, $0xb8;
	[tilespmem:$0x8800] =	vst v63  }
0x108: {  	s22 =	simm.s32 $0x3A80;
	s26 =	simm.s32 $0x7A80  }
0x109: {  	[tilespmem:s26], [sflag:$0x1] =	stream.indirect.gather [hbm4b:s4+s17], $0x1, s22, s17, $0xb8;
	[tilespmem:$0x8800] =	vst v63  }
0x10a: {  	s28 =	simm.s32 $0x3B00;
	s29 =	simm.s32 $0x7B00  }
0x10b: {  	[tilespmem:s29], [sflag:$0x1] =	stream.indirect.gather [hbm4b:s4+s17], $0x1, s28, s17, $0xb8;
	[tilespmem:$0x8800] =	vst v63  }
0x10c: {  	s6 =	simm.s32 $0x3B80;
	s19 =	simm.s32 $0x7B80  }
0x10d: {  	[tilespmem:s19], [sflag:$0x1] =	stream.indirect.gather [hbm4b:s4+s17], $0x1, s6, s17, $0xb8;
	[tilespmem:$0x8800] =	vst v63  }
0x10e: {  	s22 =	simm.s32 $0x3C00;
	s26 =	simm.s32 $0x7C00  }
0x10f: {  	[tilespmem:s26], [sflag:$0x1] =	stream.indirect.gather [hbm4b:s4+s17], $0x1, s22, s17, $0xb8;
	[tilespmem:$0x8800] =	vst v63  }
0x110: {  	s28 =	simm.s32 $0x3C80;
	s29 =	simm.s32 $0x7C80  }
0x111: {  	[tilespmem:s29], [sflag:$0x1] =	stream.indirect.gather [hbm4b:s4+s17], $0x1, s28, s17, $0xb8;
	[tilespmem:$0x8800] =	vst v63  }
0x112: {  	s6 =	simm.s32 $0x3D00;
	s19 =	simm.s32 $0x7D00  }
0x113: {  	[tilespmem:s19], [sflag:$0x1] =	stream.indirect.gather [hbm4b:s4+s17], $0x1, s6, s17, $0xb8;
	[tilespmem:$0x8800] =	vst v63  }
0x114: {  	s22 =	simm.s32 $0x3D80;
	s26 =	simm.s32 $0x7D80  }
0x115: {  	[tilespmem:s26], [sflag:$0x1] =	stream.indirect.gather [hbm4b:s4+s17], $0x1, s22, s17, $0xb8;
	[tilespmem:$0x8800] =	vst v63  }
0x116: {  	s28 =	simm.s32 $0x3E00;
	s29 =	simm.s32 $0x7E00  }
0x117: {  	[tilespmem:s29], [sflag:$0x1] =	stream.indirect.gather [hbm4b:s4+s17], $0x1, s28, s17, $0xb8;
	[tilespmem:$0x8800] =	vst v63  }
0x118: {  	s6 =	simm.s32 $0x3E80;
	s19 =	simm.s32 $0x7E80  }
0x119: {  	[tilespmem:s19], [sflag:$0x1] =	stream.indirect.gather [hbm4b:s4+s17], $0x1, s6, s17, $0xb8;
	[tilespmem:$0x8800] =	vst v63  }
0x11a: {  	s22 =	simm.s32 $0x3F00;
	s26 =	simm.s32 $0x7F00  }
0x11b: {  	[tilespmem:s26], [sflag:$0x1] =	stream.indirect.gather [hbm4b:s4+s17], $0x1, s22, s17, $0xb8;
	[tilespmem:$0x8800] =	vst v63  }
0x11c: {  	s28 =	simm.s32 $0x3F80;
	s29 =	simm.s32 $0x7F80  }
0x11d: {  	[tilespmem:s29], [sflag:$0x1] =	stream.indirect.gather [hbm4b:s4+s17], $0x1, s28, s17, $0xb8;
	[tilespmem:$0x8800] =	vst v63  }
0x11e: {  	s5 =	simm.s32 $0x4000  }
0x11f: {  	[tilespmem:s31], [sflag:$0x1] =	stream.indirect.gather [hbm4b:s4+s17], $0x1, s5, s17, $0xb8;
	[tilespmem:$0x8800] =	vst v63  }
0x120: {  	s6 =	simm.s32 $0x4080;
	s19 =	simm.s32 $0x8080  }
0x121: {  	[tilespmem:s19], [sflag:$0x1] =	stream.indirect.gather [hbm4b:s4+s17], $0x1, s6, s17, $0xb8;
	[tilespmem:$0x8800] =	vst v63  }
0x122: {  	s22 =	simm.s32 $0x4100;
	s26 =	simm.s32 $0x8100  }
0x123: {  	[tilespmem:s26], [sflag:$0x1] =	stream.indirect.gather [hbm4b:s4+s17], $0x1, s22, s17, $0xb8;
	[tilespmem:$0x8800] =	vst v63  }
0x124: {  	s28 =	simm.s32 $0x4180;
	s29 =	simm.s32 $0x8180  }
0x125: {  	[tilespmem:s29], [sflag:$0x1] =	stream.indirect.gather [hbm4b:s4+s17], $0x1, s28, s17, $0xb8;
	[tilespmem:$0x8800] =	vst v63  }
0x126: {  	s6 =	simm.s32 $0x4200;
	s19 =	simm.s32 $0x8200  }
0x127: {  	[tilespmem:s19], [sflag:$0x1] =	stream.indirect.gather [hbm4b:s4+s17], $0x1, s6, s17, $0xb8;
	[tilespmem:$0x8800] =	vst v63  }
0x128: {  	s22 =	simm.s32 $0x4280;
	s26 =	simm.s32 $0x8280  }
0x129: {  	[tilespmem:s26], [sflag:$0x1] =	stream.indirect.gather [hbm4b:s4+s17], $0x1, s22, s17, $0xb8;
	[tilespmem:$0x8800] =	vst v63  }
0x12a: {  	s28 =	simm.s32 $0x4300;
	s29 =	simm.s32 $0x8300  }
0x12b: {  	[tilespmem:s29], [sflag:$0x1] =	stream.indirect.gather [hbm4b:s4+s17], $0x1, s28, s17, $0xb8;
	[tilespmem:$0x8800] =	vst v63  }
0x12c: {  	s6 =	simm.s32 $0x4380;
	s19 =	simm.s32 $0x8380  }
0x12d: {  	[tilespmem:s19], [sflag:$0x1] =	stream.indirect.gather [hbm4b:s4+s17], $0x1, s6, s17, $0xb8;
	[tilespmem:$0x8800] =	vst v63  }
0x12e: {  	s22 =	simm.s32 $0x4400;
	s26 =	simm.s32 $0x8400  }
0x12f: {  	[tilespmem:s26], [sflag:$0x1] =	stream.indirect.gather [hbm4b:s4+s17], $0x1, s22, s17, $0xb8;
	[tilespmem:$0x8800] =	vst v63  }
0x130: {  	s28 =	simm.s32 $0x4480;
	s29 =	simm.s32 $0x8480  }
0x131: {  	[tilespmem:s29], [sflag:$0x1] =	stream.indirect.gather [hbm4b:s4+s17], $0x1, s28, s17, $0xb8;
	[tilespmem:$0x8800] =	vst v63  }
0x132: {  	s6 =	simm.s32 $0x4500;
	s19 =	simm.s32 $0x8500  }
0x133: {  	[tilespmem:s19], [sflag:$0x1] =	stream.indirect.gather [hbm4b:s4+s17], $0x1, s6, s17, $0xb8;
	[tilespmem:$0x8800] =	vst v63  }
0x134: {  	s22 =	simm.s32 $0x4580;
	s26 =	simm.s32 $0x8580  }
0x135: {  	[tilespmem:s26], [sflag:$0x1] =	stream.indirect.gather [hbm4b:s4+s17], $0x1, s22, s17, $0xb8;
	[tilespmem:$0x8800] =	vst v63  }
0x136: {  	s28 =	simm.s32 $0x8600;
	s29 =	simm.s32 $0x4600  }
0x137: {  	[tilespmem:s28], [sflag:$0x1] =	stream.indirect.gather [hbm4b:s4+s17], $0x1, s29, s17, $0xb8;
	[tilespmem:$0x8800] =	vst v63  }
0x138: {  	s5 =	simm.s32 $0x8680;
	s6 =	simm.s32 $0x4680  }
0x139: {  	[tilespmem:s5], [sflag:$0x1] =	stream.indirect.gather [hbm4b:s4+s17], $0x1, s6, s17, $0xb8;
	[tilespmem:$0x8800] =	vst v63  }
0x13a: {  	s19 =	simm.s32 $0x8700;
	s22 =	simm.s32 $0x4700  }
0x13b: {  	[tilespmem:s19], [sflag:$0x1] =	stream.indirect.gather [hbm4b:s4+s17], $0x1, s22, s17, $0xb8;
	[tilespmem:$0x8800] =	vst v63  }
0x13c: {  	s26 =	simm.s32 $0x4780;
	s28 =	simm.s32 $0x8780  }
0x13d: {  	[tilespmem:s28], [sflag:$0x1] =	stream.indirect.gather [hbm4b:s4+s17], $0x1, s26, s17, $0xb8;
	[tilespmem:$0x8800] =	vst v63  }
0x13e: {  	_ =	swait.ge [sflag:s16], $0x80  }
0x13f: {  	[sflag:s16] =	ssyncset.done $0x0  }
0x140: {  	[sflag:s16] =	ssyncadd.s32 $0xFFFFFF80  }
0x141: {  	_ =	swait.ge [sflag:s16], $0x80  }
0x142: {  	[sflag:s16] =	ssyncset.done $0x0  }
0x143: {  	[sflag:s16] =	ssyncadd.s32 $0xFFFFFF80  }
0x144: {  	_ =	swait.ge [sflag:s16], $0x80  }
0x145: {  	[sflag:s16] =	ssyncset.done $0x0  }
0x146: {  	[sflag:s16] =	ssyncadd.s32 $0xFFFFFF80  }
0x147: {  	_ =	swait.ge [sflag:s16], $0x80  }
0x148: {  	[sflag:s16] =	ssyncset.done $0x0  }
0x149: {  	[sflag:s16] =	ssyncadd.s32 $0xFFFFFF80  }
0x14a: {  	_ =	swait.ge [sflag:s16], $0x80  }
0x14b: {  	[sflag:s16] =	ssyncset.done $0x0  }
0x14c: {  	[sflag:s16] =	ssyncadd.s32 $0xFFFFFF80  }
0x14d: {  	_ =	swait.ge [sflag:s16], $0x80  }
0x14e: {  	[sflag:s16] =	ssyncset.done $0x0  }
0x14f: {  	[sflag:s16] =	ssyncadd.s32 $0xFFFFFF80  }
0x150: {  	_ =	swait.ge [sflag:s16], $0x80  }
0x151: {  	[sflag:s16] =	ssyncset.done $0x0  }
0x152: {  	[sflag:s16] =	ssyncadd.s32 $0xFFFFFF80  }
0x153: {  	_ =	swait.ge [sflag:s16], $0x80  }
0x154: {  	[sflag:s16] =	ssyncset.done $0x0  }
0x155: {  	[sflag:s16] =	ssyncadd.s32 $0xFFFFFF80  }
0x156: {  	_ =	swait.ge [sflag:s16], $0x80  }
0x157: {  	[sflag:s16] =	ssyncset.done $0x0  }
0x158: {  	[sflag:s16] =	ssyncadd.s32 $0xFFFFFF80  }
0x159: {  	_ =	swait.ge [sflag:s16], $0x80  }
0x15a: {  	[sflag:s16] =	ssyncset.done $0x0  }
0x15b: {  	[sflag:s16] =	ssyncadd.s32 $0xFFFFFF80  }
0x15c: {  	_ =	swait.ge [sflag:s16], $0x80  }
0x15d: {  	[sflag:s16] =	ssyncset.done $0x0  }
0x15e: {  	[sflag:s16] =	ssyncadd.s32 $0xFFFFFF80  }
0x15f: {  	_ =	swait.ge [sflag:s16], $0x80  }
0x160: {  	[sflag:s16] =	ssyncset.done $0x0  }
0x161: {  	[sflag:s16] =	ssyncadd.s32 $0xFFFFFF80  }
0x162: {  	_ =	swait.ge [sflag:s16], $0x80  }
0x163: {  	[sflag:s16] =	ssyncset.done $0x0  }
0x164: {  	[sflag:s16] =	ssyncadd.s32 $0xFFFFFF80  }
0x165: {  	_ =	swait.ge [sflag:s16], $0x80  }
0x166: {  	[sflag:s16] =	ssyncset.done $0x0  }
0x167: {  	[sflag:s16] =	ssyncadd.s32 $0xFFFFFF80  }
0x168: {  	_ =	swait.ge [sflag:s16], $0x80  }
0x169: {  	[sflag:s16] =	ssyncset.done $0x0  }
0x16a: {  	[sflag:s16] =	ssyncadd.s32 $0xFFFFFF80  }
0x16b: {  	_ =	swait.ge [sflag:s16], $0x80  }
0x16c: {  	[sflag:s16] =	ssyncset.done $0x0  }
0x16d: {  	[sflag:s16] =	ssyncadd.s32 $0xFFFFFF80  }
0x16e: {  	_ =	swait.ge [sflag:s16], $0x80  }
0x16f: {  	[sflag:s16] =	ssyncset.done $0x0  }
0x170: {  	[sflag:s16] =	ssyncadd.s32 $0xFFFFFF80  }
0x171: {  	_ =	swait.ge [sflag:s16], $0x80  }
0x172: {  	[sflag:s16] =	ssyncset.done $0x0  }
0x173: {  	[sflag:s16] =	ssyncadd.s32 $0xFFFFFF80  }
0x174: {  	_ =	swait.ge [sflag:s16], $0x80  }
0x175: {  	[sflag:s16] =	ssyncset.done $0x0  }
0x176: {  	[sflag:s16] =	ssyncadd.s32 $0xFFFFFF80  }
0x177: {  	_ =	swait.ge [sflag:s16], $0x80  }
0x178: {  	[sflag:s16] =	ssyncset.done $0x0  }
0x179: {  	[sflag:s16] =	ssyncadd.s32 $0xFFFFFF80  }
0x17a: {  	_ =	swait.ge [sflag:s16], $0x80  }
0x17b: {  	[sflag:s16] =	ssyncset.done $0x0  }
0x17c: {  	[sflag:s16] =	ssyncadd.s32 $0xFFFFFF80  }
0x17d: {  	_ =	swait.ge [sflag:s16], $0x80  }
0x17e: {  	[sflag:s16] =	ssyncset.done $0x0  }
0x17f: {  	[sflag:s16] =	ssyncadd.s32 $0xFFFFFF80  }
0x180: {  	_ =	swait.ge [sflag:s16], $0x80  }
0x181: {  	[sflag:s16] =	ssyncset.done $0x0  }
0x182: {  	[sflag:s16] =	ssyncadd.s32 $0xFFFFFF80  }
0x183: {  	_ =	swait.ge [sflag:s16], $0x80  }
0x184: {  	[sflag:s16] =	ssyncset.done $0x0  }
0x185: {  	[sflag:s16] =	ssyncadd.s32 $0xFFFFFF80  }
0x186: {  	_ =	swait.ge [sflag:s16], $0x80  }
0x187: {  	[sflag:s16] =	ssyncset.done $0x0  }
0x188: {  	[sflag:s16] =	ssyncadd.s32 $0xFFFFFF80  }
0x189: {  	_ =	swait.ge [sflag:s16], $0x80  }
0x18a: {  	[sflag:s16] =	ssyncset.done $0x0  }
0x18b: {  	[sflag:s16] =	ssyncadd.s32 $0xFFFFFF80  }
0x18c: {  	_ =	swait.ge [sflag:s16], $0x80  }
0x18d: {  	[sflag:s16] =	ssyncset.done $0x0  }
0x18e: {  	[sflag:s16] =	ssyncadd.s32 $0xFFFFFF80  }
0x18f: {  	_ =	swait.ge [sflag:s16], $0x80  }
0x190: {  	[sflag:s16] =	ssyncset.done $0x0  }
0x191: {  	[sflag:s16] =	ssyncadd.s32 $0xFFFFFF80  }
0x192: {  	_ =	swait.ge [sflag:s16], $0x80  }
0x193: {  	[sflag:s16] =	ssyncset.done $0x0  }
0x194: {  	[sflag:s16] =	ssyncadd.s32 $0xFFFFFF80  }
0x195: {  	_ =	swait.ge [sflag:s16], $0x80  }
0x196: {  	[sflag:s16] =	ssyncset.done $0x0  }
0x197: {  	[sflag:s16] =	ssyncadd.s32 $0xFFFFFF80  }
0x198: {  	_ =	swait.ge [sflag:s16], $0x80  }
0x199: {  	[sflag:s16] =	ssyncset.done $0x0  }
0x19a: {  	[sflag:s16] =	ssyncadd.s32 $0xFFFFFF80  }
0x19b: {  	_ =	swait.ge [sflag:s16], $0x80  }
0x19c: {  	[sflag:s16] =	ssyncset.done $0x0  }
0x19d: {  	[sflag:s16] =	ssyncadd.s32 $0xFFFFFF80  }
0x19e: {  	_ =	swait.ge [sflag:s16], $0x80  }
0x19f: {  	[sflag:s16] =	ssyncset.done $0x0  }
0x1a0: {  	[sflag:s16] =	ssyncadd.s32 $0xFFFFFF80  }
0x1a1: {  	_ =	swait.ge [sflag:s16], $0x80  }
0x1a2: {  	[sflag:s16] =	ssyncset.done $0x0  }
0x1a3: {  	[sflag:s16] =	ssyncadd.s32 $0xFFFFFF80  }
0x1a4: {  	_ =	swait.ge [sflag:s16], $0x80  }
0x1a5: {  	[sflag:s16] =	ssyncset.done $0x0  }
0x1a6: {  	[sflag:s16] =	ssyncadd.s32 $0xFFFFFF80  }
0x1a7: {  	_ =	swait.ge [sflag:s16], $0x80  }
0x1a8: {  	[sflag:s16] =	ssyncset.done $0x0  }
0x1a9: {  	[sflag:s16] =	ssyncadd.s32 $0xFFFFFF80  }
0x1aa: {  	_ =	swait.ge [sflag:s16], $0x80  }
0x1ab: {  	[sflag:s16] =	ssyncset.done $0x0  }
0x1ac: {  	[sflag:s16] =	ssyncadd.s32 $0xFFFFFF80  }
0x1ad: {  	_ =	swait.ge [sflag:s16], $0x80  }
0x1ae: {  	[sflag:s16] =	ssyncset.done $0x0  }
0x1af: {  	[sflag:s16] =	ssyncadd.s32 $0xFFFFFF80  }
0x1b0: {  	_ =	swait.ge [sflag:s16], $0x80  }
0x1b1: {  	[sflag:s16] =	ssyncset.done $0x0  }
0x1b2: {  	[sflag:s16] =	ssyncadd.s32 $0xFFFFFF80  }
0x1b3: {  	_ =	swait.ge [sflag:s16], $0x80  }
0x1b4: {  	[sflag:s16] =	ssyncset.done $0x0  }
0x1b5: {  	[sflag:s16] =	ssyncadd.s32 $0xFFFFFF80  }
0x1b6: {  	_ =	swait.ge [sflag:s16], $0x80  }
0x1b7: {  	[sflag:s16] =	ssyncset.done $0x0  }
0x1b8: {  	[sflag:s16] =	ssyncadd.s32 $0xFFFFFF80  }
0x1b9: {  	_ =	swait.ge [sflag:s16], $0x80  }
0x1ba: {  	[sflag:s16] =	ssyncset.done $0x0  }
0x1bb: {  	[sflag:s16] =	ssyncadd.s32 $0xFFFFFF80  }
0x1bc: {  	_ =	swait.ge [sflag:s16], $0x80  }
0x1bd: {  	[sflag:s16] =	ssyncset.done $0x0  }
0x1be: {  	[sflag:s16] =	ssyncadd.s32 $0xFFFFFF80  }
0x1bf: {  	_ =	swait.ge [sflag:s16], $0x80  }
0x1c0: {  	[sflag:s16] =	ssyncset.done $0x0  }
0x1c1: {  	[sflag:s16] =	ssyncadd.s32 $0xFFFFFF80  }
0x1c2: {  	_ =	swait.ge [sflag:s16], $0x80  }
0x1c3: {  	[sflag:s16] =	ssyncset.done $0x0  }
0x1c4: {  	[sflag:s16] =	ssyncadd.s32 $0xFFFFFF80  }
0x1c5: {  	_ =	swait.ge [sflag:s16], $0x80  }
0x1c6: {  	[sflag:s16] =	ssyncset.done $0x0  }
0x1c7: {  	[sflag:s16] =	ssyncadd.s32 $0xFFFFFF80  }
0x1c8: {  	_ =	swait.ge [sflag:s16], $0x80  }
0x1c9: {  	[sflag:s16] =	ssyncset.done $0x0  }
0x1ca: {  	[sflag:s16] =	ssyncadd.s32 $0xFFFFFF80  }
0x1cb: {  	_ =	swait.ge [sflag:s16], $0x80  }
0x1cc: {  	[sflag:s16] =	ssyncset.done $0x0  }
0x1cd: {  	[sflag:s16] =	ssyncadd.s32 $0xFFFFFF80  }
0x1ce: {  	_ =	swait.ge [sflag:s16], $0x80  }
0x1cf: {  	[sflag:s16] =	ssyncset.done $0x0  }
0x1d0: {  	[sflag:s16] =	ssyncadd.s32 $0xFFFFFF80  }
0x1d1: {  	_ =	swait.ge [sflag:s16], $0x80  }
0x1d2: {  	[sflag:s16] =	ssyncset.done $0x0  }
0x1d3: {  	[sflag:s16] =	ssyncadd.s32 $0xFFFFFF80  }
0x1d4: {  	_ =	swait.ge [sflag:s16], $0x80  }
0x1d5: {  	[sflag:s16] =	ssyncset.done $0x0  }
0x1d6: {  	[sflag:s16] =	ssyncadd.s32 $0xFFFFFF80  }
0x1d7: {  	_ =	swait.ge [sflag:s16], $0x80  }
0x1d8: {  	[sflag:s16] =	ssyncset.done $0x0  }
0x1d9: {  	[sflag:s16] =	ssyncadd.s32 $0xFFFFFF80  }
0x1da: {  	_ =	swait.ge [sflag:s16], $0x80  }
0x1db: {  	[sflag:s16] =	ssyncset.done $0x0  }
0x1dc: {  	[sflag:s16] =	ssyncadd.s32 $0xFFFFFF80  }
0x1dd: {  	_ =	swait.ge [sflag:s16], $0x80  }
0x1de: {  	[sflag:s16] =	ssyncset.done $0x0  }
0x1df: {  	[sflag:s16] =	ssyncadd.s32 $0xFFFFFF80  }
0x1e0: {  	_ =	swait.ge [sflag:s16], $0x80  }
0x1e1: {  	[sflag:s16] =	ssyncset.done $0x0  }
0x1e2: {  	[sflag:s16] =	ssyncadd.s32 $0xFFFFFF80  }
0x1e3: {  	_ =	swait.ge [sflag:s16], $0x80  }
0x1e4: {  	[sflag:s16] =	ssyncset.done $0x0  }
0x1e5: {  	[sflag:s16] =	ssyncadd.s32 $0xFFFFFF80  }
0x1e6: {  	_ =	swait.ge [sflag:s16], $0x80  }
0x1e7: {  	[sflag:s16] =	ssyncset.done $0x0  }
0x1e8: {  	[sflag:s16] =	ssyncadd.s32 $0xFFFFFF80  }
0x1e9: {  	_ =	swait.ge [sflag:s16], $0x80  }
0x1ea: {  	[sflag:s16] =	ssyncset.done $0x0  }
0x1eb: {  	[sflag:s16] =	ssyncadd.s32 $0xFFFFFF80  }
0x1ec: {  	_ =	swait.ge [sflag:s16], $0x80  }
0x1ed: {  	[sflag:s16] =	ssyncset.done $0x0  }
0x1ee: {  	[sflag:s16] =	ssyncadd.s32 $0xFFFFFF80  }
0x1ef: {  	_ =	swait.ge [sflag:s16], $0x80  }
0x1f0: {  	[sflag:s16] =	ssyncset.done $0x0  }
0x1f1: {  	[sflag:s16] =	ssyncadd.s32 $0xFFFFFF80  }
0x1f2: {  	_ =	swait.ge [sflag:s16], $0x80  }
0x1f3: {  	[sflag:s16] =	ssyncset.done $0x0  }
0x1f4: {  	[sflag:s16] =	ssyncadd.s32 $0xFFFFFF80  }
0x1f5: {  	_ =	swait.ge [sflag:s16], $0x80  }
0x1f6: {  	[sflag:s16] =	ssyncset.done $0x0  }
0x1f7: {  	[sflag:s16] =	ssyncadd.s32 $0xFFFFFF80  }
0x1f8: {  	_ =	swait.ge [sflag:s16], $0x80  }
0x1f9: {  	[sflag:s16] =	ssyncset.done $0x0  }
0x1fa: {  	[sflag:s16] =	ssyncadd.s32 $0xFFFFFF80  }
0x1fb: {  	_ =	swait.ge [sflag:s16], $0x80  }
0x1fc: {  	[sflag:s16] =	ssyncset.done $0x0  }
0x1fd: {  	[sflag:s16] =	ssyncadd.s32 $0xFFFFFF80  }
0x1fe: {  	_ =	swait.ge [sflag:s16], $0x80  }
0x1ff: {  	[sflag:s16] =	ssyncset.done $0x0  }
0x200: {  	[sflag:s16] =	ssyncadd.s32 $0xFFFFFF80  }
0x201: {  	_ =	swait.ge [sflag:s16], $0x80  }
0x202: {  	[sflag:s16] =	ssyncset.done $0x0  }
0x203: {  	[sflag:s16] =	ssyncadd.s32 $0xFFFFFF80  }
0x204: {  	_ =	swait.ge [sflag:s16], $0x80  }
0x205: {  	[sflag:s16] =	ssyncset.done $0x0  }
0x206: {  	[sflag:s16] =	ssyncadd.s32 $0xFFFFFF80  }
0x207: {  	_ =	swait.ge [sflag:s16], $0x80  }
0x208: {  	[sflag:s16] =	ssyncset.done $0x0  }
0x209: {  	[sflag:s16] =	ssyncadd.s32 $0xFFFFFF80  }
0x20a: {  	_ =	swait.ge [sflag:s16], $0x80  }
0x20b: {  	[sflag:s16] =	ssyncset.done $0x0  }
0x20c: {  	[sflag:s16] =	ssyncadd.s32 $0xFFFFFF80  }
0x20d: {  	_ =	swait.ge [sflag:s16], $0x80  }
0x20e: {  	[sflag:s16] =	ssyncset.done $0x0  }
0x20f: {  	[sflag:s16] =	ssyncadd.s32 $0xFFFFFF80  }
0x210: {  	_ =	swait.ge [sflag:s16], $0x80  }
0x211: {  	[sflag:s16] =	ssyncset.done $0x0  }
0x212: {  	[sflag:s16] =	ssyncadd.s32 $0xFFFFFF80  }
0x213: {  	_ =	swait.ge [sflag:s16], $0x80  }
0x214: {  	[sflag:s16] =	ssyncset.done $0x0  }
0x215: {  	[sflag:s16] =	ssyncadd.s32 $0xFFFFFF80  }
0x216: {  	_ =	swait.ge [sflag:s16], $0x80  }
0x217: {  	[sflag:s16] =	ssyncset.done $0x0  }
0x218: {  	[sflag:s16] =	ssyncadd.s32 $0xFFFFFF80  }
0x219: {  	_ =	swait.ge [sflag:s16], $0x80  }
0x21a: {  	[sflag:s16] =	ssyncset.done $0x0  }
0x21b: {  	[sflag:s16] =	ssyncadd.s32 $0xFFFFFF80  }
0x21c: {  	_ =	swait.ge [sflag:s16], $0x80  }
0x21d: {  	[sflag:s16] =	ssyncset.done $0x0  }
0x21e: {  	[sflag:s16] =	ssyncadd.s32 $0xFFFFFF80  }
0x21f: {  	_ =	swait.ge [sflag:s16], $0x80  }
0x220: {  	[sflag:s16] =	ssyncset.done $0x0  }
0x221: {  	[sflag:s16] =	ssyncadd.s32 $0xFFFFFF80  }
0x222: {  	_ =	swait.ge [sflag:s16], $0x80  }
0x223: {  	[sflag:s16] =	ssyncset.done $0x0  }
0x224: {  	[sflag:s16] =	ssyncadd.s32 $0xFFFFFF80  }
0x225: {  	_ =	swait.ge [sflag:s16], $0x80  }
0x226: {  	[sflag:s16] =	ssyncset.done $0x0  }
0x227: {  	[sflag:s16] =	ssyncadd.s32 $0xFFFFFF80  }
0x228: {  	_ =	swait.ge [sflag:s16], $0x80  }
0x229: {  	[sflag:s16] =	ssyncset.done $0x0  }
0x22a: {  	[sflag:s16] =	ssyncadd.s32 $0xFFFFFF80  }
0x22b: {  	_ =	swait.ge [sflag:s16], $0x80  }
0x22c: {  	[sflag:s16] =	ssyncset.done $0x0  }
0x22d: {  	[sflag:s16] =	ssyncadd.s32 $0xFFFFFF80  }
0x22e: {  	_ =	swait.ge [sflag:s16], $0x80  }
0x22f: {  	[sflag:s16] =	ssyncset.done $0x0  }
0x230: {  	[sflag:s16] =	ssyncadd.s32 $0xFFFFFF80  }
0x231: {  	_ =	swait.ge [sflag:s16], $0x80  }
0x232: {  	[sflag:s16] =	ssyncset.done $0x0  }
0x233: {  	[sflag:s16] =	ssyncadd.s32 $0xFFFFFF80  }
0x234: {  	_ =	swait.ge [sflag:s16], $0x80  }
0x235: {  	[sflag:s16] =	ssyncset.done $0x0  }
0x236: {  	[sflag:s16] =	ssyncadd.s32 $0xFFFFFF80  }
0x237: {  	_ =	swait.ge [sflag:s16], $0x80  }
0x238: {  	[sflag:s16] =	ssyncset.done $0x0  }
0x239: {  	[sflag:s16] =	ssyncadd.s32 $0xFFFFFF80  }
0x23a: {  	_ =	swait.ge [sflag:s16], $0x80  }
0x23b: {  	[sflag:s16] =	ssyncset.done $0x0  }
0x23c: {  	[sflag:s16] =	ssyncadd.s32 $0xFFFFFF80  }
0x23d: {  	_ =	swait.ge [sflag:s16], $0x80  }
0x23e: {  	[sflag:s16] =	ssyncset.done $0x0  }
0x23f: {  	[sflag:s16] =	ssyncadd.s32 $0xFFFFFF80  }
0x240: {  	_ =	swait.ge [sflag:s16], $0x80  }
0x241: {  	[sflag:s16] =	ssyncset.done $0x0  }
0x242: {  	[sflag:s16] =	ssyncadd.s32 $0xFFFFFF80  }
0x243: {  	_ =	swait.ge [sflag:s16], $0x80  }
0x244: {  	[sflag:s16] =	ssyncset.done $0x0  }
0x245: {  	[sflag:s16] =	ssyncadd.s32 $0xFFFFFF80  }
0x246: {  	_ =	swait.ge [sflag:s16], $0x80  }
0x247: {  	[sflag:s16] =	ssyncset.done $0x0  }
0x248: {  	[sflag:s16] =	ssyncadd.s32 $0xFFFFFF80  }
0x249: {  	_ =	swait.ge [sflag:s16], $0x80  }
0x24a: {  	[sflag:s16] =	ssyncset.done $0x0  }
0x24b: {  	[sflag:s16] =	ssyncadd.s32 $0xFFFFFF80  }
0x24c: {  	_ =	swait.ge [sflag:s16], $0x80  }
0x24d: {  	[sflag:s16] =	ssyncset.done $0x0  }
0x24e: {  	[sflag:s16] =	ssyncadd.s32 $0xFFFFFF80  }
0x24f: {  	_ =	swait.ge [sflag:s16], $0x80  }
0x250: {  	[sflag:s16] =	ssyncset.done $0x0  }
0x251: {  	[sflag:s16] =	ssyncadd.s32 $0xFFFFFF80  }
0x252: {  	_ =	swait.ge [sflag:s16], $0x80  }
0x253: {  	[sflag:s16] =	ssyncset.done $0x0  }
0x254: {  	[sflag:s16] =	ssyncadd.s32 $0xFFFFFF80  }
0x255: {  	_ =	swait.ge [sflag:s16], $0x80  }
0x256: {  	[sflag:s16] =	ssyncset.done $0x0  }
0x257: {  	[sflag:s16] =	ssyncadd.s32 $0xFFFFFF80  }
0x258: {  	_ =	swait.ge [sflag:s16], $0x80  }
0x259: {  	[sflag:s16] =	ssyncset.done $0x0  }
0x25a: {  	[sflag:s16] =	ssyncadd.s32 $0xFFFFFF80  }
0x25b: {  	_ =	swait.ge [sflag:s16], $0x80  }
0x25c: {  	[sflag:s16] =	ssyncset.done $0x0  }
0x25d: {  	[sflag:s16] =	ssyncadd.s32 $0xFFFFFF80  }
0x25e: {  	_ =	swait.ge [sflag:s16], $0x80  }
0x25f: {  	[sflag:s16] =	ssyncset.done $0x0  }
0x260: {  	[sflag:s16] =	ssyncadd.s32 $0xFFFFFF80  }
0x261: {  	_ =	swait.ge [sflag:s16], $0x80  }
0x262: {  	[sflag:s16] =	ssyncset.done $0x0  }
0x263: {  	[sflag:s16] =	ssyncadd.s32 $0xFFFFFF80  }
0x264: {  	_ =	swait.ge [sflag:s16], $0x80  }
0x265: {  	[sflag:s16] =	ssyncset.done $0x0  }
0x266: {  	[sflag:s16] =	ssyncadd.s32 $0xFFFFFF80  }
0x267: {  	_ =	swait.ge [sflag:s16], $0x80  }
0x268: {  	[sflag:s16] =	ssyncset.done $0x0  }
0x269: {  	[sflag:s16] =	ssyncadd.s32 $0xFFFFFF80  }
0x26a: {  	_ =	swait.ge [sflag:s16], $0x80  }
0x26b: {  	[sflag:s16] =	ssyncset.done $0x0  }
0x26c: {  	[sflag:s16] =	ssyncadd.s32 $0xFFFFFF80  }
0x26d: {  	_ =	swait.ge [sflag:s16], $0x80  }
0x26e: {  	[sflag:s16] =	ssyncset.done $0x0  }
0x26f: {  	[sflag:s16] =	ssyncadd.s32 $0xFFFFFF80  }
0x270: {  	_ =	swait.ge [sflag:s16], $0x80  }
0x271: {  	[sflag:s16] =	ssyncset.done $0x0  }
0x272: {  	[sflag:s16] =	ssyncadd.s32 $0xFFFFFF80  }
0x273: {  	_ =	swait.ge [sflag:s16], $0x80  }
0x274: {  	[sflag:s16] =	ssyncset.done $0x0  }
0x275: {  	[sflag:s16] =	ssyncadd.s32 $0xFFFFFF80  }
0x276: {  	_ =	swait.ge [sflag:s16], $0x80  }
0x277: {  	[sflag:s16] =	ssyncset.done $0x0  }
0x278: {  	[sflag:s16] =	ssyncadd.s32 $0xFFFFFF80  }
0x279: {  	_ =	swait.ge [sflag:s16], $0x80  }
0x27a: {  	[sflag:s16] =	ssyncset.done $0x0  }
0x27b: {  	[sflag:s16] =	ssyncadd.s32 $0xFFFFFF80  }
0x27c: {  	_ =	swait.ge [sflag:s16], $0x80  }
0x27d: {  	[sflag:s16] =	ssyncset.done $0x0  }
0x27e: {  	[sflag:s16] =	ssyncadd.s32 $0xFFFFFF80  }
0x27f: {  	_ =	swait.ge [sflag:s16], $0x80  }
0x280: {  	[sflag:s16] =	ssyncset.done $0x0  }
0x281: {  	[sflag:s16] =	ssyncadd.s32 $0xFFFFFF80  }
0x282: {  	_ =	swait.ge [sflag:s16], $0x80  }
0x283: {  	[sflag:s16] =	ssyncset.done $0x0  }
0x284: {  	[sflag:s16] =	ssyncadd.s32 $0xFFFFFF80  }
0x285: {  	_ =	swait.ge [sflag:s16], $0x80  }
0x286: {  	[sflag:s16] =	ssyncset.done $0x0  }
0x287: {  	[sflag:s16] =	ssyncadd.s32 $0xFFFFFF80  }
0x288: {  	_ =	swait.ge [sflag:s16], $0x80  }
0x289: {  	[sflag:s16] =	ssyncset.done $0x0  }
0x28a: {  	[sflag:s16] =	ssyncadd.s32 $0xFFFFFF80  }
0x28b: {  	_ =	swait.ge [sflag:s16], $0x80  }
0x28c: {  	[sflag:s16] =	ssyncset.done $0x0  }
0x28d: {  	[sflag:s16] =	ssyncadd.s32 $0xFFFFFF80  }
0x28e: {  	_ =	swait.ge [sflag:s16], $0x80  }
0x28f: {  	[sflag:s16] =	ssyncset.done $0x0  }
0x290: {  	[sflag:s16] =	ssyncadd.s32 $0xFFFFFF80  }
0x291: {  	_ =	swait.ge [sflag:s16], $0x80  }
0x292: {  	[sflag:s16] =	ssyncset.done $0x0  }
0x293: {  	[sflag:s16] =	ssyncadd.s32 $0xFFFFFF80  }
0x294: {  	_ =	swait.ge [sflag:s16], $0x80  }
0x295: {  	[sflag:s16] =	ssyncset.done $0x0  }
0x296: {  	[sflag:s16] =	ssyncadd.s32 $0xFFFFFF80  }
0x297: {  	_ =	swait.ge [sflag:s16], $0x80  }
0x298: {  	[sflag:s16] =	ssyncset.done $0x0  }
0x299: {  	[sflag:s16] =	ssyncadd.s32 $0xFFFFFF80  }
0x29a: {  	_ =	swait.ge [sflag:s16], $0x80  }
0x29b: {  	[sflag:s16] =	ssyncset.done $0x0  }
0x29c: {  	[sflag:s16] =	ssyncadd.s32 $0xFFFFFF80  }
0x29d: {  	_ =	swait.ge [sflag:s16], $0x80  }
0x29e: {  	[sflag:s16] =	ssyncset.done $0x0  }
0x29f: {  	[sflag:s16] =	ssyncadd.s32 $0xFFFFFF80  }
0x2a0: {  	_ =	swait.ge [sflag:s16], $0x80  }
0x2a1: {  	[sflag:s16] =	ssyncset.done $0x0  }
0x2a2: {  	[sflag:s16] =	ssyncadd.s32 $0xFFFFFF80  }
0x2a3: {  	_ =	swait.ge [sflag:s16], $0x80  }
0x2a4: {  	[sflag:s16] =	ssyncset.done $0x0  }
0x2a5: {  	[sflag:s16] =	ssyncadd.s32 $0xFFFFFF80  }
0x2a6: {  	_ =	swait.ge [sflag:s16], $0x80  }
0x2a7: {  	[sflag:s16] =	ssyncset.done $0x0  }
0x2a8: {  	[sflag:s16] =	ssyncadd.s32 $0xFFFFFF80  }
0x2a9: {  	_ =	swait.ge [sflag:s16], $0x80  }
0x2aa: {  	[sflag:s16] =	ssyncset.done $0x0  }
0x2ab: {  	[sflag:s16] =	ssyncadd.s32 $0xFFFFFF80  }
0x2ac: {  	_ =	swait.ge [sflag:s16], $0x80  }
0x2ad: {  	[sflag:s16] =	ssyncset.done $0x0  }
0x2ae: {  	[sflag:s16] =	ssyncadd.s32 $0xFFFFFF80  }
0x2af: {  	_ =	swait.ge [sflag:s16], $0x80  }
0x2b0: {  	[sflag:s16] =	ssyncset.done $0x0  }
0x2b1: {  	[sflag:s16] =	ssyncadd.s32 $0xFFFFFF80  }
0x2b2: {  	_ =	swait.ge [sflag:s16], $0x80  }
0x2b3: {  	[sflag:s16] =	ssyncset.done $0x0  }
0x2b4: {  	[sflag:s16] =	ssyncadd.s32 $0xFFFFFF80  }
0x2b5: {  	_ =	swait.ge [sflag:s16], $0x80  }
0x2b6: {  	[sflag:s16] =	ssyncset.done $0x0  }
0x2b7: {  	[sflag:s16] =	ssyncadd.s32 $0xFFFFFF80  }
0x2b8: {  	_ =	swait.ge [sflag:s16], $0x80  }
0x2b9: {  	[sflag:s16] =	ssyncset.done $0x0  }
0x2ba: {  	[sflag:s16] =	ssyncadd.s32 $0xFFFFFF80  }
0x2bb: {  	_ =	swait.ge [sflag:s16], $0x80  }
0x2bc: {  	[sflag:s16] =	ssyncset.done $0x0  }
0x2bd: {  	s29 =	rddreg [dreg:$0x3];
	[sflag:s16] =	ssyncadd.s32 $0xFFFFFF80  }
0x2be: {  	[hbm4b:s29+s2] =	stream.linear.scatter [tilespmem:s3], [sflag:$0x2], $0x800, $0x38;
	[tilespmem:$0x8800] =	vst v63  }
0x2bf: {  	_ =	swait.ge [sflag:s15], $0x800  }
0x2c0: {  	[sflag:s15] =	ssyncset.done $0x0  }
0x2c1: {  	[sflag:s15] =	ssyncadd.s32 $0xFFFFF800  }
0x2c2: {  	[hbm4b:s7+s2] =	stream.linear.scatter [tilespmem:s23], [sflag:$0x2], $0x800, $0x38;
	[tilespmem:$0x8800] =	vst v63  }
0x2c3: {  	_ =	swait.ge [sflag:s15], $0x800  }
0x2c4: {  	[sflag:s15] =	ssyncset.done $0x0  }
0x2c5: {  	[sflag:s15] =	ssyncadd.s32 $0xFFFFF800  }
0x2c6: {  	[hbm4b:s8+s2] =	stream.linear.scatter [tilespmem:s30], [sflag:$0x2], $0x800, $0x38;
	[tilespmem:$0x8800] =	vst v63  }
0x2c7: {  	_ =	swait.ge [sflag:s15], $0x800  }
0x2c8: {  	[sflag:s15] =	ssyncset.done $0x0  }
0x2c9: {  	[sflag:s15] =	ssyncadd.s32 $0xFFFFF800  }
0x2ca: {  	[hbm4b:s9+s2] =	stream.linear.scatter [tilespmem:s24], [sflag:$0x2], $0x800, $0x38;
	[tilespmem:$0x8800] =	vst v63  }
0x2cb: {  	_ =	swait.ge [sflag:s15], $0x800  }
0x2cc: {  	[sflag:s15] =	ssyncset.done $0x0  }
0x2cd: {  	[sflag:s15] =	ssyncadd.s32 $0xFFFFF800  }
0x2ce: {  	[hbm4b:s10+s2] =	stream.linear.scatter [tilespmem:s21], [sflag:$0x2], $0x800, $0x38;
	[tilespmem:$0x8800] =	vst v63  }
0x2cf: {  	_ =	swait.ge [sflag:s15], $0x800  }
0x2d0: {  	[sflag:s15] =	ssyncset.done $0x0  }
0x2d1: {  	[sflag:s15] =	ssyncadd.s32 $0xFFFFF800  }
0x2d2: {  	[hbm4b:s11+s2] =	stream.linear.scatter [tilespmem:s25], [sflag:$0x2], $0x800, $0x38;
	[tilespmem:$0x8800] =	vst v63  }
0x2d3: {  	_ =	swait.ge [sflag:s15], $0x800  }
0x2d4: {  	[sflag:s15] =	ssyncset.done $0x0  }
0x2d5: {  	[sflag:s15] =	ssyncadd.s32 $0xFFFFF800  }
0x2d6: {  	[hbm4b:s12+s2] =	stream.linear.scatter [tilespmem:s0], [sflag:$0x2], $0x800, $0x38;
	[tilespmem:$0x8800] =	vst v63  }
0x2d7: {  	s20 =	sadd.s32 $0x1, s20;
	_ =	swait.ge [sflag:s15], $0x800  }
0x2d8: {  	p0 =	sne.s32 s20, s14;
	[sflag:s15] =	ssyncset.done $0x0  }
.Ltmp1:
0x2d9: {  	[sflag:s15] =	ssyncadd.s32 $0xFFFFF800;
	(pc) =	sbr.rel @p0 .LBB2_1-.Ltmp1, $4  }
0x2da: {  	[hbm4b:s13+s2] =	stream.linear.scatter [tilespmem:s31], [sflag:$0x2], $0x800, $0x38;
	[tilespmem:$0x8800] =	vst v63  }
0x2db: {  	_ =	swait.ge [sflag:s15], $0x800  }
0x2dc: {  	[sflag:s15] =	ssyncset.done $0x0  }
0x2dd: {  	[sflag:s15] =	ssyncadd.s32 $0xFFFFF800  }
0x2de: {  	_ =	sfence.sel $0x180000  }
0x2df: {  	[bflag:$0x0] =	sbarrier.arrive $0xFFFF  }
0x2e0: {  	_ =	strace $0x90000047  }
0x2e1: {  	s0 =	stileid.u32;
	[bflag:$0x2] =	sbarrier.arrive $0xFFFF  }
0x2e2: {  	p0 =	sne.s32 s0, $0x0;
	s0 =	rddreg [dreg:$0x1]  }
0x2e3: {  	s0 =	sadd.s32 @!p0 $0x100000, s0  }
0x2e4: {  	[sflag:s0] =	ssyncadd.tile.s32 @!p0 $0x1;
	_ =	shalt  }
.Lfunc_end2:
_tile_overlayer_lowered:
.L_overlay_start_2:
0x2e5: {  	(tag) =	ssettag $0x2  }
0x2e6: {  	s0 =	rddreg [dreg:$0x0];
	s2 =	stileid.u32  }
0x2e7: {  	s1 =	rddreg [dreg:$0x1];
	p0 =	sne.s32 s2, $0x0  }
0x2e8: {  	s3 =	rddreg [dreg:$0x2];
	[bflag:$0x3] =	sbarrier.arrive $0xFFFF;
	s2 =	simm.s32 @!p0 $0x1C02  }
0x2e9: {  	[timem:s3], [sflag:s2] =	dma.local @!p0 [hbm:s0], s1  }
0x2ea: {  	s0 =	simm.s32 @!p0 $0x2  }
0x2eb: {  	_ =	swait.ge @!p0 [sflag:s0], s1  }
0x2ec: {  	s1 =	ssub.s32 @!p0 $0x0, s1;
	[sflag:s0] =	ssyncset.done @!p0 $0x0  }
0x2ed: {  	[sflag:s0] =	ssyncadd.s32 @!p0 s1  }
0x2ee: {  	[bflag:$0x3] =	sbarrier.arrive $0xFFFF  }
0x2ef: {  	_ =	shalt  }

</sc_bundles>
